<compile_context>
chip_gen: v7x
topology: tpu7x:2x2x1
jax: 0.10.2.dev20260603
libtpu: 0.0.44.dev20260713+nightly
codegen_flags: <defaults>
</compile_context>

<pallas_src>
import functools

import jax
import jax.numpy as jnp
from jax import lax
from jax.experimental import pallas as pl
from jax.experimental.pallas import tpu as pltpu
from jax.experimental.pallas import tpu_sc as plsc

N_NODES = 10000
D_FEAT = 128
N_EDGES = 160000
N_REL = 3

NC, NS = 2, 16
CHUNK = 128
ROWS = 1280
RPT = 40
PAD_E = ROWS * CHUNK - N_EDGES
ACC_ROWS = 10240
SHARE = ACC_ROWS // NS

_mesh = plsc.VectorSubcoreMesh(core_axis_name="c", subcore_axis_name="s")


@functools.partial(
    pl.kernel,
    out_type=(
        jax.ShapeDtypeStruct((NC, N_REL, ACC_ROWS, D_FEAT), jnp.float32),
        jax.ShapeDtypeStruct((NC * N_REL * ACC_ROWS,), jnp.float32),
    ),
    mesh=_mesh,
    scratch_types=[
        pltpu.VMEM((RPT, CHUNK), jnp.int32),
        pltpu.VMEM((RPT, CHUNK), jnp.int32),
        pltpu.VMEM((CHUNK, D_FEAT), jnp.float32),
        pltpu.VMEM((CHUNK, D_FEAT), jnp.float32),
        pltpu.VMEM((CHUNK,), jnp.float32),
        pltpu.VMEM((16, D_FEAT), jnp.float32),
        pltpu.VMEM((SHARE,), jnp.float32),
        pltpu.VMEM_SHARED((ACC_ROWS, D_FEAT), jnp.float32),
        pltpu.VMEM_SHARED((ACC_ROWS,), jnp.float32),
        pltpu.SemaphoreType.DMA,
        pltpu.SemaphoreType.DMA,
        pltpu.SemaphoreType.DMA,
        pltpu.SemaphoreType.DMA,
        pltpu.SemaphoreType.DMA,
    ],
)
def _sc_aggregate(x_hbm, src_hbm, dst_hbm, ones_hbm, zacc_hbm, zdeg_hbm,
                  acc_out, deg_out,
                  src_v, dst_v, rows_v0, rows_v1, ones_v, zacc_v, zdeg_v,
                  acc_sh, deg_sh, sem_g0, sem_g1, sem_s0, sem_s1, sem_d):
    c = lax.axis_index("c")
    s = lax.axis_index("s")

    pltpu.sync_copy(ones_hbm, ones_v)
    pltpu.sync_copy(zacc_hbm, zacc_v)
    pltpu.sync_copy(zdeg_hbm, zdeg_v)

    wid = s * NC + c
    for r in range(N_REL):
        z0 = s * SHARE

        @pl.loop(0, SHARE // 16)
        def _(k):
            pltpu.sync_copy(zacc_v, acc_sh.at[pl.ds(z0 + k * 16, 16)])

        pltpu.sync_copy(zdeg_v, deg_sh.at[pl.ds(z0, SHARE)])
        plsc.subcore_barrier()

        bufs = (rows_v0, rows_v1)
        sem_g = (sem_g0, sem_g1)
        sem_s = (sem_s0, sem_s1)

        def run_block(row_base, n):
            pltpu.sync_copy(src_hbm.at[r, pl.ds(row_base, n)],
                            src_v.at[pl.ds(0, n)])
            pltpu.sync_copy(dst_hbm.at[r, pl.ds(row_base, n)],
                            dst_v.at[pl.ds(0, n)])
            for b in range(2):
                pltpu.async_copy(x_hbm.at[src_v.at[b]], bufs[b], sem_g[b])

            @pl.loop(0, n // 2)
            def _(t):
                for b in range(2):
                    j = t * 2 + b
                    pltpu.make_async_copy(
                        x_hbm.at[src_v.at[j]], bufs[b], sem_g[b]).wait()
                    pltpu.async_copy(ones_v, deg_sh.at[dst_v.at[j]], sem_d,
                                     add=True)
                    pltpu.async_copy(bufs[b], acc_sh.at[dst_v.at[j]],
                                     sem_s[b], add=True).wait()

                    @pl.when(j < n - 2)
                    def _():
                        pltpu.async_copy(
                            x_hbm.at[src_v.at[j + 2]], bufs[b], sem_g[b])

            @pl.loop(0, n)
            def _(j):
                pltpu.make_async_copy(
                    ones_v, deg_sh.at[dst_v.at[0]], sem_d).wait()

        run_block(wid * RPT, RPT)

        plsc.subcore_barrier()
        o0 = s * SHARE
        pltpu.sync_copy(acc_sh.at[pl.ds(o0, SHARE)],
                        acc_out.at[c, r, pl.ds(o0, SHARE)])
        pltpu.sync_copy(deg_sh.at[pl.ds(o0, SHARE)],
                        deg_out.at[pl.ds((c * N_REL + r) * ACC_ROWS + o0,
                                         SHARE)])
        plsc.subcore_barrier()


_BN = 2048


def _tc_body(acc_ref, deg_ref, w_ref, o_ref):
    h = jnp.zeros((_BN, D_FEAT), jnp.float32)
    n_stripes = _BN // 128
    for r in range(N_REL):
        a = acc_ref[0, r] + acc_ref[1, r]
        d = jnp.maximum(deg_ref[0, r] + deg_ref[1, r], 1.0)
        dt = jnp.transpose(d)
        scaled = jnp.concatenate(
            [a[k * 128:(k + 1) * 128, :] / dt[:, k:k + 1]
             for k in range(n_stripes)], axis=0)
        h = h + jnp.dot(scaled, w_ref[r],
                        preferred_element_type=jnp.float32,
                        precision=lax.Precision.HIGHEST)
    o_ref[...] = h


def _tc_combine(acc, deg, w):
    return pl.pallas_call(
        _tc_body,
        grid=(ACC_ROWS // _BN,),
        in_specs=[
            pl.BlockSpec((NC, N_REL, _BN, D_FEAT), lambda i: (0, 0, i, 0)),
            pl.BlockSpec((NC, N_REL, _BN // 128, 128), lambda i: (0, 0, i, 0)),
            pl.BlockSpec((N_REL, D_FEAT, D_FEAT), lambda i: (0, 0, 0)),
        ],
        out_specs=pl.BlockSpec((_BN, D_FEAT), lambda i: (i, 0)),
        out_shape=jax.ShapeDtypeStruct((ACC_ROWS, D_FEAT), jnp.float32),
    )(acc, deg, w)


def kernel(x, edge_index_rel0, edge_index_rel1, edge_index_rel2,
           W_rel0, W_rel1, W_rel2):
    src = jnp.stack([edge_index_rel0[0], edge_index_rel1[0],
                     edge_index_rel2[0]]).astype(jnp.int32)
    dst = jnp.stack([edge_index_rel0[1], edge_index_rel1[1],
                     edge_index_rel2[1]]).astype(jnp.int32)
    pad_src = jnp.broadcast_to(
        jnp.arange(PAD_E, dtype=jnp.int32) % N_NODES, (N_REL, PAD_E))
    src = jnp.concatenate([src, pad_src], axis=1)
    pad_dst = jnp.broadcast_to(
        N_NODES + (jnp.arange(PAD_E, dtype=jnp.int32) % (ACC_ROWS - N_NODES)),
        (N_REL, PAD_E))
    dst = jnp.concatenate([dst, pad_dst], axis=1)
    src = (src.reshape(N_REL, RPT, NC * NS, CHUNK).transpose(0, 2, 1, 3)
           .reshape(N_REL, ROWS, CHUNK))
    dst = (dst.reshape(N_REL, RPT, NC * NS, CHUNK).transpose(0, 2, 1, 3)
           .reshape(N_REL, ROWS, CHUNK))

    ones = jnp.ones((CHUNK,), jnp.float32)
    zacc = jnp.zeros((16, D_FEAT), jnp.float32)
    zdeg = jnp.zeros((SHARE,), jnp.float32)

    acc, deg = _sc_aggregate(x, src, dst, ones, zacc, zdeg)
    deg = deg.reshape(NC, N_REL, ACC_ROWS // 128, 128)
    w = jnp.stack([W_rel0, W_rel1, W_rel2])
    return _tc_combine(acc, deg, w)[:N_NODES]

# --- scband reference (transcript-rebuilt; emitter-appended) ---
"""Pipeline reference for scband-rel-graph-conv-layer-40278203301916 (READ-ONLY COPY).

The authoritative reference and input builder live on the scoring server;
editing this copy changes nothing except your own understanding.
"""

import jax, jax.numpy as jnp
import numpy as np

N_NODES = 10000
N_EDGES = 160000
D_FEAT = 128


def setup_inputs(seed: int = 0) -> dict:
    key = jax.random.key(seed)
    ks = jax.random.split(key, 8)
    x = jax.random.normal(ks[0], (N_NODES, D_FEAT), dtype=jnp.float32)
    edge_index_rel0 = jax.random.randint(ks[1], (2, N_EDGES), 0, N_NODES, dtype=jnp.int64)
    edge_index_rel1 = jax.random.randint(ks[2], (2, N_EDGES), 0, N_NODES, dtype=jnp.int64)
    edge_index_rel2 = jax.random.randint(ks[3], (2, N_EDGES), 0, N_NODES, dtype=jnp.int64)
    scale = 1.0 / np.sqrt(D_FEAT)
    W_rel0 = jax.random.normal(ks[4], (D_FEAT, D_FEAT), dtype=jnp.float32) * scale
    W_rel1 = jax.random.normal(ks[5], (D_FEAT, D_FEAT), dtype=jnp.float32) * scale
    W_rel2 = jax.random.normal(ks[6], (D_FEAT, D_FEAT), dtype=jnp.float32) * scale
    return {
        "x": x,
        "edge_index_rel0": edge_index_rel0,
        "edge_index_rel1": edge_index_rel1,
        "edge_index_rel2": edge_index_rel2,
        "W_rel0": W_rel0,
        "W_rel1": W_rel1,
        "W_rel2": W_rel2,
    }


def _graphconv_right(x, edge_index, W, n_nodes):
    # DGL GraphConv(norm='right', weight=False) with external weight W [in, out]:
    # message = x[src] @ W; aggregate sum over dst; divide by in-degree (clamped to 1).
    src = edge_index[0]
    dst = edge_index[1]
    m = jnp.take(x, src, axis=0) @ W
    agg = jax.ops.segment_sum(m, dst, num_segments=n_nodes)
    deg = jax.ops.segment_sum(jnp.ones((edge_index.shape[1],), dtype=x.dtype), dst, num_segments=n_nodes)
    deg = jnp.clip(deg, 1.0, None)
    return agg / deg[:, None]


def reference(x, edge_index_rel0, edge_index_rel1, edge_index_rel2, W_rel0, W_rel1, W_rel2):
    # HeteroGraphConv with single ntype: sum aggregation across relations.
    # self_loop=False, activation=None, dropout=0.0 -> identity apply.
    n_nodes = x.shape[0]
    h = _graphconv_right(x, edge_index_rel0, W_rel0, n_nodes)
    h = h + _graphconv_right(x, edge_index_rel1, W_rel1, n_nodes)
    h = h + _graphconv_right(x, edge_index_rel2, W_rel2, n_nodes)
    return h

if __name__ == "__main__":
    import jax
    _d = setup_inputs()
    print(jax.jit(kernel)(*tuple(_d.values())))

</pallas_src>

<mosaic_0001>
#map = affine_map<(d0, d1) -> (0, 0)>
#map1 = affine_map<(d0, d1) -> (0, 0, 0)>
#map2 = affine_map<(d0, d1) -> (0)>
#map3 = affine_map<(d0, d1) -> (0, 0, 0, 0)>
module attributes {stable_mosaic.version = 14 : i64} {
  func.func @_sc_aggregate(%arg0: i32, %arg1: i32, %arg2: memref<10000x128xf32, #tpu.memory_space<hbm>>, %arg3: memref<3x1280x128xi32, #tpu.memory_space<hbm>>, %arg4: memref<3x1280x128xi32, #tpu.memory_space<hbm>>, %arg5: memref<128xf32, #tpu.memory_space<hbm>>, %arg6: memref<16x128xf32, #tpu.memory_space<hbm>>, %arg7: memref<640xf32, #tpu.memory_space<hbm>>, %arg8: memref<2x3x10240x128xf32, #tpu.memory_space<hbm>>, %arg9: memref<61440xf32, #tpu.memory_space<hbm>>, %arg10: memref<40x128xi32, #tpu.memory_space<vmem>>, %arg11: memref<40x128xi32, #tpu.memory_space<vmem>>, %arg12: memref<128x128xf32, #tpu.memory_space<vmem>>, %arg13: memref<128x128xf32, #tpu.memory_space<vmem>>, %arg14: memref<128xf32, #tpu.memory_space<vmem>>, %arg15: memref<16x128xf32, #tpu.memory_space<vmem>>, %arg16: memref<640xf32, #tpu.memory_space<vmem>>, %arg17: memref<10240x128xf32, #tpu.memory_space<vmem_shared>>, %arg18: memref<10240xf32, #tpu.memory_space<vmem_shared>>, %arg19: memref<!tpu.dma_semaphore, #tpu.memory_space<semaphore_mem>>, %arg20: memref<!tpu.dma_semaphore, #tpu.memory_space<semaphore_mem>>, %arg21: memref<!tpu.dma_semaphore, #tpu.memory_space<semaphore_mem>>, %arg22: memref<!tpu.dma_semaphore, #tpu.memory_space<semaphore_mem>>, %arg23: memref<!tpu.dma_semaphore, #tpu.memory_space<semaphore_mem>>) attributes {dimension_semantics = [#tpu.dimension_semantics<core_parallel>, #tpu.dimension_semantics<subcore_parallel>], iteration_bounds = array<i64: 2, 16>, scalar_prefetch = 0 : i64, scratch_operands = 14 : i64, tpu.core_type = #tpu.core_type<sc_vector_subcore>, window_params = [{transform_indices = #map}, {transform_indices = #map1}, {transform_indices = #map1}, {transform_indices = #map2}, {transform_indices = #map}, {transform_indices = #map2}, {transform_indices = #map3}, {transform_indices = #map2}]} {
    "tpu.region"() ({
      %run_scoped3A_141 = tpu.sem_alloc : memref<!tpu.dma_semaphore, #tpu.memory_space<semaphore_mem>>
      tpu.enqueue_dma source(%arg5 : memref<128xf32, #tpu.memory_space<hbm>>) target(%arg14 : memref<128xf32, #tpu.memory_space<vmem>>) target_semaphore(%run_scoped3A_141 : memref<!tpu.dma_semaphore, #tpu.memory_space<semaphore_mem>>)
      tpu.wait_dma2 semaphore(%run_scoped3A_141 : memref<!tpu.dma_semaphore, #tpu.memory_space<semaphore_mem>>) src(%arg5 : memref<128xf32, #tpu.memory_space<hbm>>) dst(%arg14 : memref<128xf32, #tpu.memory_space<vmem>>)
      tpu.yield
    }) : () -> ()
    "tpu.region"() ({
      %run_scoped3A_141 = tpu.sem_alloc : memref<!tpu.dma_semaphore, #tpu.memory_space<semaphore_mem>>
      tpu.enqueue_dma source(%arg6 : memref<16x128xf32, #tpu.memory_space<hbm>>) target(%arg15 : memref<16x128xf32, #tpu.memory_space<vmem>>) target_semaphore(%run_scoped3A_141 : memref<!tpu.dma_semaphore, #tpu.memory_space<semaphore_mem>>)
      tpu.wait_dma2 semaphore(%run_scoped3A_141 : memref<!tpu.dma_semaphore, #tpu.memory_space<semaphore_mem>>) src(%arg6 : memref<16x128xf32, #tpu.memory_space<hbm>>) dst(%arg15 : memref<16x128xf32, #tpu.memory_space<vmem>>)
      tpu.yield
    }) : () -> ()
    "tpu.region"() ({
      %run_scoped3A_141 = tpu.sem_alloc : memref<!tpu.dma_semaphore, #tpu.memory_space<semaphore_mem>>
      tpu.enqueue_dma source(%arg7 : memref<640xf32, #tpu.memory_space<hbm>>) target(%arg16 : memref<640xf32, #tpu.memory_space<vmem>>) target_semaphore(%run_scoped3A_141 : memref<!tpu.dma_semaphore, #tpu.memory_space<semaphore_mem>>)
      tpu.wait_dma2 semaphore(%run_scoped3A_141 : memref<!tpu.dma_semaphore, #tpu.memory_space<semaphore_mem>>) src(%arg7 : memref<640xf32, #tpu.memory_space<hbm>>) dst(%arg16 : memref<640xf32, #tpu.memory_space<vmem>>)
      tpu.yield
    }) : () -> ()
    %mul3A = arith.constant 2 : i32
    %mul3A_0 = arith.muli %arg1, %mul3A : i32
    %add3A = arith.addi %mul3A_0, %arg0 : i32
    %mul3A_1 = arith.constant 640 : i32
    %mul3A_2 = arith.muli %arg1, %mul3A_1 : i32
    %scan3A = arith.constant 0 : i32
    %scan3A_3 = arith.constant 40 : i32
    %scan3A_4 = arith.addi %scan3A, %scan3A_3 : i32
    %scan3A_5 = arith.constant 1 : i32
    scf.for %scan3A_141 = %scan3A to %scan3A_4 step %scan3A_5  : i32 {
      %mul3A_142 = arith.constant 1 : i32
      %mul3A_143 = arith.muli %scan3A_141, %mul3A_142 : i32
      %add3A_144 = arith.constant 0 : i32
      %add3A_145 = arith.addi %add3A_144, %mul3A_143 : i32
      %mul3A_146 = arith.constant 16 : i32
      %mul3A_147 = arith.muli %add3A_145, %mul3A_146 : i32
      %add3A_148 = arith.addi %mul3A_2, %mul3A_147 : i32
      "tpu.region"() ({
        %run_scoped3A_149 = tpu.sem_alloc : memref<!tpu.dma_semaphore, #tpu.memory_space<semaphore_mem>>
        %dma_start3A_150 = arith.constant 0 : i32
        %dma_start3A_151 = tpu.memref_slice %arg17[%add3A_148, %dma_start3A_150] : memref<10240x128xf32, #tpu.memory_space<vmem_shared>> -> memref<16x128xf32, #tpu.memory_space<vmem_shared>>
        %dma_start3A_152 = arith.constant 0 : i32
        %dma_start3A_153 = tpu.memref_slice %arg17[%add3A_148, %dma_start3A_152] : memref<10240x128xf32, #tpu.memory_space<vmem_shared>> -> memref<16x128xf32, #tpu.memory_space<vmem_shared>>
        tpu.enqueue_dma source(%arg15 : memref<16x128xf32, #tpu.memory_space<vmem>>) target(%dma_start3A_153 : memref<16x128xf32, #tpu.memory_space<vmem_shared>>) target_semaphore(%run_scoped3A_149 : memref<!tpu.dma_semaphore, #tpu.memory_space<semaphore_mem>>)
        %dma_wait3A = arith.constant 0 : i32
        %dma_wait3A_154 = tpu.memref_slice %arg17[%add3A_148, %dma_wait3A] : memref<10240x128xf32, #tpu.memory_space<vmem_shared>> -> memref<16x128xf32, #tpu.memory_space<vmem_shared>>
        %dma_wait3A_155 = arith.constant 0 : i32
        %dma_wait3A_156 = tpu.memref_slice %arg17[%add3A_148, %dma_wait3A_155] : memref<10240x128xf32, #tpu.memory_space<vmem_shared>> -> memref<16x128xf32, #tpu.memory_space<vmem_shared>>
        tpu.wait_dma2 semaphore(%run_scoped3A_149 : memref<!tpu.dma_semaphore, #tpu.memory_space<semaphore_mem>>) src(%arg15 : memref<16x128xf32, #tpu.memory_space<vmem>>) dst(%dma_wait3A_156 : memref<16x128xf32, #tpu.memory_space<vmem_shared>>)
        tpu.yield
      }) : () -> ()
    }
    %scan3A_6 = arith.constant 40 : i32
    "tpu.region"() ({
      %run_scoped3A_141 = tpu.sem_alloc : memref<!tpu.dma_semaphore, #tpu.memory_space<semaphore_mem>>
      %dma_start3A_142 = tpu.memref_slice %arg18[%mul3A_2] : memref<10240xf32, #tpu.memory_space<vmem_shared>> -> memref<640xf32, #tpu.memory_space<vmem_shared>>
      %dma_start3A_143 = tpu.memref_slice %arg18[%mul3A_2] : memref<10240xf32, #tpu.memory_space<vmem_shared>> -> memref<640xf32, #tpu.memory_space<vmem_shared>>
      tpu.enqueue_dma source(%arg16 : memref<640xf32, #tpu.memory_space<vmem>>) target(%dma_start3A_143 : memref<640xf32, #tpu.memory_space<vmem_shared>>) target_semaphore(%run_scoped3A_141 : memref<!tpu.dma_semaphore, #tpu.memory_space<semaphore_mem>>)
      %dma_wait3A = tpu.memref_slice %arg18[%mul3A_2] : memref<10240xf32, #tpu.memory_space<vmem_shared>> -> memref<640xf32, #tpu.memory_space<vmem_shared>>
      %dma_wait3A_144 = tpu.memref_slice %arg18[%mul3A_2] : memref<10240xf32, #tpu.memory_space<vmem_shared>> -> memref<640xf32, #tpu.memory_space<vmem_shared>>
      tpu.wait_dma2 semaphore(%run_scoped3A_141 : memref<!tpu.dma_semaphore, #tpu.memory_space<semaphore_mem>>) src(%arg16 : memref<640xf32, #tpu.memory_space<vmem>>) dst(%dma_wait3A_144 : memref<640xf32, #tpu.memory_space<vmem_shared>>)
      tpu.yield
    }) : () -> ()
    %barrier3A = arith.constant 0 : index
    tpu.barrier barrier_id(%barrier3A)
    %mul3A_7 = arith.constant 40 : i32
    %mul3A_8 = arith.muli %add3A, %mul3A_7 : i32
    %run_scoped3A = arith.constant 0 : i32
    "tpu.region"() ({
      %run_scoped3A_141 = tpu.sem_alloc : memref<!tpu.dma_semaphore, #tpu.memory_space<semaphore_mem>>
      %dma_start3A_142 = arith.constant 0 : i32
      %dma_start3A_143 = arith.constant 0 : i32
      %dma_start3A_144 = tpu.memref_slice %arg10[%dma_start3A_142, %dma_start3A_143] : memref<40x128xi32, #tpu.memory_space<vmem>> -> memref<40x128xi32, #tpu.memory_space<vmem>>
      %dma_start3A_145 = arith.constant 0 : i32
      %dma_start3A_146 = tpu.memref_slice %arg3[%run_scoped3A, %mul3A_8, %dma_start3A_145] : memref<3x1280x128xi32, #tpu.memory_space<hbm>> -> memref<1x40x128xi32, #tpu.memory_space<hbm>>
      %dma_start3A_147 = tpu.memref_squeeze %dma_start3A_146 : memref<1x40x128xi32, #tpu.memory_space<hbm>> -> memref<40x128xi32, #tpu.memory_space<hbm>>
      %dma_start3A_148 = arith.constant 0 : i32
      %dma_start3A_149 = arith.constant 0 : i32
      %dma_start3A_150 = tpu.memref_slice %arg10[%dma_start3A_148, %dma_start3A_149] : memref<40x128xi32, #tpu.memory_space<vmem>> -> memref<40x128xi32, #tpu.memory_space<vmem>>
      %dma_start3A_151 = arith.constant 0 : i32
      %dma_start3A_152 = tpu.memref_slice %arg3[%run_scoped3A, %mul3A_8, %dma_start3A_151] : memref<3x1280x128xi32, #tpu.memory_space<hbm>> -> memref<1x40x128xi32, #tpu.memory_space<hbm>>
      %dma_start3A_153 = tpu.memref_squeeze %dma_start3A_152 : memref<1x40x128xi32, #tpu.memory_space<hbm>> -> memref<40x128xi32, #tpu.memory_space<hbm>>
      tpu.enqueue_dma source(%dma_start3A_153 : memref<40x128xi32, #tpu.memory_space<hbm>>) target(%dma_start3A_150 : memref<40x128xi32, #tpu.memory_space<vmem>>) target_semaphore(%run_scoped3A_141 : memref<!tpu.dma_semaphore, #tpu.memory_space<semaphore_mem>>)
      %dma_wait3A = arith.constant 0 : i32
      %dma_wait3A_154 = arith.constant 0 : i32
      %dma_wait3A_155 = tpu.memref_slice %arg10[%dma_wait3A, %dma_wait3A_154] : memref<40x128xi32, #tpu.memory_space<vmem>> -> memref<40x128xi32, #tpu.memory_space<vmem>>
      %dma_wait3A_156 = arith.constant 0 : i32
      %dma_wait3A_157 = tpu.memref_slice %arg3[%run_scoped3A, %mul3A_8, %dma_wait3A_156] : memref<3x1280x128xi32, #tpu.memory_space<hbm>> -> memref<1x40x128xi32, #tpu.memory_space<hbm>>
      %dma_wait3A_158 = tpu.memref_squeeze %dma_wait3A_157 : memref<1x40x128xi32, #tpu.memory_space<hbm>> -> memref<40x128xi32, #tpu.memory_space<hbm>>
      %dma_wait3A_159 = arith.constant 0 : i32
      %dma_wait3A_160 = arith.constant 0 : i32
      %dma_wait3A_161 = tpu.memref_slice %arg10[%dma_wait3A_159, %dma_wait3A_160] : memref<40x128xi32, #tpu.memory_space<vmem>> -> memref<40x128xi32, #tpu.memory_space<vmem>>
      %dma_wait3A_162 = arith.constant 0 : i32
      %dma_wait3A_163 = tpu.memref_slice %arg3[%run_scoped3A, %mul3A_8, %dma_wait3A_162] : memref<3x1280x128xi32, #tpu.memory_space<hbm>> -> memref<1x40x128xi32, #tpu.memory_space<hbm>>
      %dma_wait3A_164 = tpu.memref_squeeze %dma_wait3A_163 : memref<1x40x128xi32, #tpu.memory_space<hbm>> -> memref<40x128xi32, #tpu.memory_space<hbm>>
      tpu.wait_dma2 semaphore(%run_scoped3A_141 : memref<!tpu.dma_semaphore, #tpu.memory_space<semaphore_mem>>) src(%dma_wait3A_164 : memref<40x128xi32, #tpu.memory_space<hbm>>) dst(%dma_wait3A_161 : memref<40x128xi32, #tpu.memory_space<vmem>>)
      tpu.yield
    }) : () -> ()
    %run_scoped3A_9 = arith.constant 0 : i32
    "tpu.region"() ({
      %run_scoped3A_141 = tpu.sem_alloc : memref<!tpu.dma_semaphore, #tpu.memory_space<semaphore_mem>>
      %dma_start3A_142 = arith.constant 0 : i32
      %dma_start3A_143 = arith.constant 0 : i32
      %dma_start3A_144 = tpu.memref_slice %arg11[%dma_start3A_142, %dma_start3A_143] : memref<40x128xi32, #tpu.memory_space<vmem>> -> memref<40x128xi32, #tpu.memory_space<vmem>>
      %dma_start3A_145 = arith.constant 0 : i32
      %dma_start3A_146 = tpu.memref_slice %arg4[%run_scoped3A_9, %mul3A_8, %dma_start3A_145] : memref<3x1280x128xi32, #tpu.memory_space<hbm>> -> memref<1x40x128xi32, #tpu.memory_space<hbm>>
      %dma_start3A_147 = tpu.memref_squeeze %dma_start3A_146 : memref<1x40x128xi32, #tpu.memory_space<hbm>> -> memref<40x128xi32, #tpu.memory_space<hbm>>
      %dma_start3A_148 = arith.constant 0 : i32
      %dma_start3A_149 = arith.constant 0 : i32
      %dma_start3A_150 = tpu.memref_slice %arg11[%dma_start3A_148, %dma_start3A_149] : memref<40x128xi32, #tpu.memory_space<vmem>> -> memref<40x128xi32, #tpu.memory_space<vmem>>
      %dma_start3A_151 = arith.constant 0 : i32
      %dma_start3A_152 = tpu.memref_slice %arg4[%run_scoped3A_9, %mul3A_8, %dma_start3A_151] : memref<3x1280x128xi32, #tpu.memory_space<hbm>> -> memref<1x40x128xi32, #tpu.memory_space<hbm>>
      %dma_start3A_153 = tpu.memref_squeeze %dma_start3A_152 : memref<1x40x128xi32, #tpu.memory_space<hbm>> -> memref<40x128xi32, #tpu.memory_space<hbm>>
      tpu.enqueue_dma source(%dma_start3A_153 : memref<40x128xi32, #tpu.memory_space<hbm>>) target(%dma_start3A_150 : memref<40x128xi32, #tpu.memory_space<vmem>>) target_semaphore(%run_scoped3A_141 : memref<!tpu.dma_semaphore, #tpu.memory_space<semaphore_mem>>)
      %dma_wait3A = arith.constant 0 : i32
      %dma_wait3A_154 = arith.constant 0 : i32
      %dma_wait3A_155 = tpu.memref_slice %arg11[%dma_wait3A, %dma_wait3A_154] : memref<40x128xi32, #tpu.memory_space<vmem>> -> memref<40x128xi32, #tpu.memory_space<vmem>>
      %dma_wait3A_156 = arith.constant 0 : i32
      %dma_wait3A_157 = tpu.memref_slice %arg4[%run_scoped3A_9, %mul3A_8, %dma_wait3A_156] : memref<3x1280x128xi32, #tpu.memory_space<hbm>> -> memref<1x40x128xi32, #tpu.memory_space<hbm>>
      %dma_wait3A_158 = tpu.memref_squeeze %dma_wait3A_157 : memref<1x40x128xi32, #tpu.memory_space<hbm>> -> memref<40x128xi32, #tpu.memory_space<hbm>>
      %dma_wait3A_159 = arith.constant 0 : i32
      %dma_wait3A_160 = arith.constant 0 : i32
      %dma_wait3A_161 = tpu.memref_slice %arg11[%dma_wait3A_159, %dma_wait3A_160] : memref<40x128xi32, #tpu.memory_space<vmem>> -> memref<40x128xi32, #tpu.memory_space<vmem>>
      %dma_wait3A_162 = arith.constant 0 : i32
      %dma_wait3A_163 = tpu.memref_slice %arg4[%run_scoped3A_9, %mul3A_8, %dma_wait3A_162] : memref<3x1280x128xi32, #tpu.memory_space<hbm>> -> memref<1x40x128xi32, #tpu.memory_space<hbm>>
      %dma_wait3A_164 = tpu.memref_squeeze %dma_wait3A_163 : memref<1x40x128xi32, #tpu.memory_space<hbm>> -> memref<40x128xi32, #tpu.memory_space<hbm>>
      tpu.wait_dma2 semaphore(%run_scoped3A_141 : memref<!tpu.dma_semaphore, #tpu.memory_space<semaphore_mem>>) src(%dma_wait3A_164 : memref<40x128xi32, #tpu.memory_space<hbm>>) dst(%dma_wait3A_161 : memref<40x128xi32, #tpu.memory_space<vmem>>)
      tpu.yield
    }) : () -> ()
    %dma_start3A = arith.constant 0 : i32
    %dma_start3A_10 = arith.constant 0 : i32
    %dma_start3A_11 = tpu.memref_slice %arg10[%dma_start3A, %dma_start3A_10] : memref<40x128xi32, #tpu.memory_space<vmem>> -> memref<1x128xi32, #tpu.memory_space<vmem>>
    %dma_start3A_12 = tpu.memref_squeeze %dma_start3A_11 : memref<1x128xi32, #tpu.memory_space<vmem>> -> memref<128xi32, #tpu.memory_space<vmem>>
    %dma_start3A_13 = arith.constant 0 : i32
    %dma_start3A_14 = arith.constant 0 : i32
    %dma_start3A_15 = tpu.memref_slice %arg2[%dma_start3A_13, %dma_start3A_14] : memref<10000x128xf32, #tpu.memory_space<hbm>> -> memref<10000x128xf32, #tpu.memory_space<hbm>>
    tpu.enqueue_indirect_dma source(%dma_start3A_15 : memref<10000x128xf32, #tpu.memory_space<hbm>>) target(%arg12 : memref<128x128xf32, #tpu.memory_space<vmem>>) offsets(%dma_start3A_12 : memref<128xi32, #tpu.memory_space<vmem>>) semaphore(%arg19 : memref<!tpu.dma_semaphore, #tpu.memory_space<semaphore_mem>>)
    %dma_start3A_16 = arith.constant 1 : i32
    %dma_start3A_17 = arith.constant 0 : i32
    %dma_start3A_18 = tpu.memref_slice %arg10[%dma_start3A_16, %dma_start3A_17] : memref<40x128xi32, #tpu.memory_space<vmem>> -> memref<1x128xi32, #tpu.memory_space<vmem>>
    %dma_start3A_19 = tpu.memref_squeeze %dma_start3A_18 : memref<1x128xi32, #tpu.memory_space<vmem>> -> memref<128xi32, #tpu.memory_space<vmem>>
    %dma_start3A_20 = arith.constant 0 : i32
    %dma_start3A_21 = arith.constant 0 : i32
    %dma_start3A_22 = tpu.memref_slice %arg2[%dma_start3A_20, %dma_start3A_21] : memref<10000x128xf32, #tpu.memory_space<hbm>> -> memref<10000x128xf32, #tpu.memory_space<hbm>>
    tpu.enqueue_indirect_dma source(%dma_start3A_22 : memref<10000x128xf32, #tpu.memory_space<hbm>>) target(%arg13 : memref<128x128xf32, #tpu.memory_space<vmem>>) offsets(%dma_start3A_19 : memref<128xi32, #tpu.memory_space<vmem>>) semaphore(%arg20 : memref<!tpu.dma_semaphore, #tpu.memory_space<semaphore_mem>>)
    %scan3A_23 = arith.constant 0 : i32
    %scan3A_24 = arith.constant 20 : i32
    %scan3A_25 = arith.addi %scan3A_23, %scan3A_24 : i32
    %scan3A_26 = arith.constant 1 : i32
    scf.for %scan3A_141 = %scan3A_23 to %scan3A_25 step %scan3A_26  : i32 {
      %mul3A_142 = arith.constant 1 : i32
      %mul3A_143 = arith.muli %scan3A_141, %mul3A_142 : i32
      %add3A_144 = arith.constant 0 : i32
      %add3A_145 = arith.addi %add3A_144, %mul3A_143 : i32
      %mul3A_146 = arith.constant 2 : i32
      %mul3A_147 = arith.muli %add3A_145, %mul3A_146 : i32
      %add3A_148 = arith.constant 0 : i32
      %add3A_149 = arith.addi %mul3A_147, %add3A_148 : i32
      %dma_wait3A = arith.constant 0 : i32
      %dma_wait3A_150 = tpu.memref_slice %arg10[%add3A_149, %dma_wait3A] : memref<40x128xi32, #tpu.memory_space<vmem>> -> memref<1x128xi32, #tpu.memory_space<vmem>>
      %dma_wait3A_151 = tpu.memref_squeeze %dma_wait3A_150 : memref<1x128xi32, #tpu.memory_space<vmem>> -> memref<128xi32, #tpu.memory_space<vmem>>
      %dma_wait3A_152 = arith.constant 0 : i32
      %dma_wait3A_153 = arith.constant 0 : i32
      %dma_wait3A_154 = tpu.memref_slice %arg2[%dma_wait3A_152, %dma_wait3A_153] : memref<10000x128xf32, #tpu.memory_space<hbm>> -> memref<10000x128xf32, #tpu.memory_space<hbm>>
      tpu.wait_indirect_dma semaphore(%arg19 : memref<!tpu.dma_semaphore, #tpu.memory_space<semaphore_mem>>) src(%dma_wait3A_154 : memref<10000x128xf32, #tpu.memory_space<hbm>>) dst(%arg12 : memref<128x128xf32, #tpu.memory_space<vmem>>)
      %dma_start3A_155 = arith.constant 0 : i32
      %dma_start3A_156 = tpu.memref_slice %arg11[%add3A_149, %dma_start3A_155] : memref<40x128xi32, #tpu.memory_space<vmem>> -> memref<1x128xi32, #tpu.memory_space<vmem>>
      %dma_start3A_157 = tpu.memref_squeeze %dma_start3A_156 : memref<1x128xi32, #tpu.memory_space<vmem>> -> memref<128xi32, #tpu.memory_space<vmem>>
      %dma_start3A_158 = arith.constant 0 : i32
      %dma_start3A_159 = tpu.memref_slice %arg18[%dma_start3A_158] : memref<10240xf32, #tpu.memory_space<vmem_shared>> -> memref<10240xf32, #tpu.memory_space<vmem_shared>>
      tpu.enqueue_indirect_dma source(%arg14 : memref<128xf32, #tpu.memory_space<vmem>>) target(%dma_start3A_159 : memref<10240xf32, #tpu.memory_space<vmem_shared>>) offsets(%dma_start3A_157 : memref<128xi32, #tpu.memory_space<vmem>>) semaphore(%arg23 : memref<!tpu.dma_semaphore, #tpu.memory_space<semaphore_mem>>) {add = true}
      %dma_start3A_160 = arith.constant 0 : i32
      %dma_start3A_161 = tpu.memref_slice %arg11[%add3A_149, %dma_start3A_160] : memref<40x128xi32, #tpu.memory_space<vmem>> -> memref<1x128xi32, #tpu.memory_space<vmem>>
      %dma_start3A_162 = tpu.memref_squeeze %dma_start3A_161 : memref<1x128xi32, #tpu.memory_space<vmem>> -> memref<128xi32, #tpu.memory_space<vmem>>
      %dma_start3A_163 = arith.constant 0 : i32
      %dma_start3A_164 = arith.constant 0 : i32
      %dma_start3A_165 = tpu.memref_slice %arg17[%dma_start3A_163, %dma_start3A_164] : memref<10240x128xf32, #tpu.memory_space<vmem_shared>> -> memref<10240x128xf32, #tpu.memory_space<vmem_shared>>
      tpu.enqueue_indirect_dma source(%arg12 : memref<128x128xf32, #tpu.memory_space<vmem>>) target(%dma_start3A_165 : memref<10240x128xf32, #tpu.memory_space<vmem_shared>>) offsets(%dma_start3A_162 : memref<128xi32, #tpu.memory_space<vmem>>) semaphore(%arg21 : memref<!tpu.dma_semaphore, #tpu.memory_space<semaphore_mem>>) {add = true}
      %dma_wait3A_166 = arith.constant 0 : i32
      %dma_wait3A_167 = tpu.memref_slice %arg11[%add3A_149, %dma_wait3A_166] : memref<40x128xi32, #tpu.memory_space<vmem>> -> memref<1x128xi32, #tpu.memory_space<vmem>>
      %dma_wait3A_168 = tpu.memref_squeeze %dma_wait3A_167 : memref<1x128xi32, #tpu.memory_space<vmem>> -> memref<128xi32, #tpu.memory_space<vmem>>
      %dma_wait3A_169 = arith.constant 0 : i32
      %dma_wait3A_170 = arith.constant 0 : i32
      %dma_wait3A_171 = tpu.memref_slice %arg17[%dma_wait3A_169, %dma_wait3A_170] : memref<10240x128xf32, #tpu.memory_space<vmem_shared>> -> memref<10240x128xf32, #tpu.memory_space<vmem_shared>>
      tpu.wait_indirect_dma semaphore(%arg21 : memref<!tpu.dma_semaphore, #tpu.memory_space<semaphore_mem>>) src(%arg12 : memref<128x128xf32, #tpu.memory_space<vmem>>) dst(%dma_wait3A_171 : memref<10240x128xf32, #tpu.memory_space<vmem_shared>>)
      %lt3A = arith.constant 38 : i32
      %lt3A_172 = arith.cmpi slt, %add3A_149, %lt3A : i32
      %convert_element_type3A = arith.extui %lt3A_172 : i1 to i32
      %cond3A = arith.constant 0 : i32
      %cond3A_173 = arith.cmpi ne, %convert_element_type3A, %cond3A : i32
      scf.if %cond3A_173 {
        %add3A_206 = arith.constant 2 : i32
        %add3A_207 = arith.addi %add3A_149, %add3A_206 : i32
        %dma_start3A_208 = arith.constant 0 : i32
        %dma_start3A_209 = tpu.memref_slice %arg10[%add3A_207, %dma_start3A_208] : memref<40x128xi32, #tpu.memory_space<vmem>> -> memref<1x128xi32, #tpu.memory_space<vmem>>
        %dma_start3A_210 = tpu.memref_squeeze %dma_start3A_209 : memref<1x128xi32, #tpu.memory_space<vmem>> -> memref<128xi32, #tpu.memory_space<vmem>>
        %dma_start3A_211 = arith.constant 0 : i32
        %dma_start3A_212 = arith.constant 0 : i32
        %dma_start3A_213 = tpu.memref_slice %arg2[%dma_start3A_211, %dma_start3A_212] : memref<10000x128xf32, #tpu.memory_space<hbm>> -> memref<10000x128xf32, #tpu.memory_space<hbm>>
        tpu.enqueue_indirect_dma source(%dma_start3A_213 : memref<10000x128xf32, #tpu.memory_space<hbm>>) target(%arg12 : memref<128x128xf32, #tpu.memory_space<vmem>>) offsets(%dma_start3A_210 : memref<128xi32, #tpu.memory_space<vmem>>) semaphore(%arg19 : memref<!tpu.dma_semaphore, #tpu.memory_space<semaphore_mem>>)
      } else {
      }
      %mul3A_174 = arith.constant 2 : i32
      %mul3A_175 = arith.muli %add3A_145, %mul3A_174 : i32
      %add3A_176 = arith.constant 1 : i32
      %add3A_177 = arith.addi %mul3A_175, %add3A_176 : i32
      %dma_wait3A_178 = arith.constant 0 : i32
      %dma_wait3A_179 = tpu.memref_slice %arg10[%add3A_177, %dma_wait3A_178] : memref<40x128xi32, #tpu.memory_space<vmem>> -> memref<1x128xi32, #tpu.memory_space<vmem>>
      %dma_wait3A_180 = tpu.memref_squeeze %dma_wait3A_179 : memref<1x128xi32, #tpu.memory_space<vmem>> -> memref<128xi32, #tpu.memory_space<vmem>>
      %dma_wait3A_181 = arith.constant 0 : i32
      %dma_wait3A_182 = arith.constant 0 : i32
      %dma_wait3A_183 = tpu.memref_slice %arg2[%dma_wait3A_181, %dma_wait3A_182] : memref<10000x128xf32, #tpu.memory_space<hbm>> -> memref<10000x128xf32, #tpu.memory_space<hbm>>
      tpu.wait_indirect_dma semaphore(%arg20 : memref<!tpu.dma_semaphore, #tpu.memory_space<semaphore_mem>>) src(%dma_wait3A_183 : memref<10000x128xf32, #tpu.memory_space<hbm>>) dst(%arg13 : memref<128x128xf32, #tpu.memory_space<vmem>>)
      %dma_start3A_184 = arith.constant 0 : i32
      %dma_start3A_185 = tpu.memref_slice %arg11[%add3A_177, %dma_start3A_184] : memref<40x128xi32, #tpu.memory_space<vmem>> -> memref<1x128xi32, #tpu.memory_space<vmem>>
      %dma_start3A_186 = tpu.memref_squeeze %dma_start3A_185 : memref<1x128xi32, #tpu.memory_space<vmem>> -> memref<128xi32, #tpu.memory_space<vmem>>
      %dma_start3A_187 = arith.constant 0 : i32
      %dma_start3A_188 = tpu.memref_slice %arg18[%dma_start3A_187] : memref<10240xf32, #tpu.memory_space<vmem_shared>> -> memref<10240xf32, #tpu.memory_space<vmem_shared>>
      tpu.enqueue_indirect_dma source(%arg14 : memref<128xf32, #tpu.memory_space<vmem>>) target(%dma_start3A_188 : memref<10240xf32, #tpu.memory_space<vmem_shared>>) offsets(%dma_start3A_186 : memref<128xi32, #tpu.memory_space<vmem>>) semaphore(%arg23 : memref<!tpu.dma_semaphore, #tpu.memory_space<semaphore_mem>>) {add = true}
      %dma_start3A_189 = arith.constant 0 : i32
      %dma_start3A_190 = tpu.memref_slice %arg11[%add3A_177, %dma_start3A_189] : memref<40x128xi32, #tpu.memory_space<vmem>> -> memref<1x128xi32, #tpu.memory_space<vmem>>
      %dma_start3A_191 = tpu.memref_squeeze %dma_start3A_190 : memref<1x128xi32, #tpu.memory_space<vmem>> -> memref<128xi32, #tpu.memory_space<vmem>>
      %dma_start3A_192 = arith.constant 0 : i32
      %dma_start3A_193 = arith.constant 0 : i32
      %dma_start3A_194 = tpu.memref_slice %arg17[%dma_start3A_192, %dma_start3A_193] : memref<10240x128xf32, #tpu.memory_space<vmem_shared>> -> memref<10240x128xf32, #tpu.memory_space<vmem_shared>>
      tpu.enqueue_indirect_dma source(%arg13 : memref<128x128xf32, #tpu.memory_space<vmem>>) target(%dma_start3A_194 : memref<10240x128xf32, #tpu.memory_space<vmem_shared>>) offsets(%dma_start3A_191 : memref<128xi32, #tpu.memory_space<vmem>>) semaphore(%arg22 : memref<!tpu.dma_semaphore, #tpu.memory_space<semaphore_mem>>) {add = true}
      %dma_wait3A_195 = arith.constant 0 : i32
      %dma_wait3A_196 = tpu.memref_slice %arg11[%add3A_177, %dma_wait3A_195] : memref<40x128xi32, #tpu.memory_space<vmem>> -> memref<1x128xi32, #tpu.memory_space<vmem>>
      %dma_wait3A_197 = tpu.memref_squeeze %dma_wait3A_196 : memref<1x128xi32, #tpu.memory_space<vmem>> -> memref<128xi32, #tpu.memory_space<vmem>>
      %dma_wait3A_198 = arith.constant 0 : i32
      %dma_wait3A_199 = arith.constant 0 : i32
      %dma_wait3A_200 = tpu.memref_slice %arg17[%dma_wait3A_198, %dma_wait3A_199] : memref<10240x128xf32, #tpu.memory_space<vmem_shared>> -> memref<10240x128xf32, #tpu.memory_space<vmem_shared>>
      tpu.wait_indirect_dma semaphore(%arg22 : memref<!tpu.dma_semaphore, #tpu.memory_space<semaphore_mem>>) src(%arg13 : memref<128x128xf32, #tpu.memory_space<vmem>>) dst(%dma_wait3A_200 : memref<10240x128xf32, #tpu.memory_space<vmem_shared>>)
      %lt3A_201 = arith.constant 38 : i32
      %lt3A_202 = arith.cmpi slt, %add3A_177, %lt3A_201 : i32
      %convert_element_type3A_203 = arith.extui %lt3A_202 : i1 to i32
      %cond3A_204 = arith.constant 0 : i32
      %cond3A_205 = arith.cmpi ne, %convert_element_type3A_203, %cond3A_204 : i32
      scf.if %cond3A_205 {
        %add3A_206 = arith.constant 2 : i32
        %add3A_207 = arith.addi %add3A_177, %add3A_206 : i32
        %dma_start3A_208 = arith.constant 0 : i32
        %dma_start3A_209 = tpu.memref_slice %arg10[%add3A_207, %dma_start3A_208] : memref<40x128xi32, #tpu.memory_space<vmem>> -> memref<1x128xi32, #tpu.memory_space<vmem>>
        %dma_start3A_210 = tpu.memref_squeeze %dma_start3A_209 : memref<1x128xi32, #tpu.memory_space<vmem>> -> memref<128xi32, #tpu.memory_space<vmem>>
        %dma_start3A_211 = arith.constant 0 : i32
        %dma_start3A_212 = arith.constant 0 : i32
        %dma_start3A_213 = tpu.memref_slice %arg2[%dma_start3A_211, %dma_start3A_212] : memref<10000x128xf32, #tpu.memory_space<hbm>> -> memref<10000x128xf32, #tpu.memory_space<hbm>>
        tpu.enqueue_indirect_dma source(%dma_start3A_213 : memref<10000x128xf32, #tpu.memory_space<hbm>>) target(%arg13 : memref<128x128xf32, #tpu.memory_space<vmem>>) offsets(%dma_start3A_210 : memref<128xi32, #tpu.memory_space<vmem>>) semaphore(%arg20 : memref<!tpu.dma_semaphore, #tpu.memory_space<semaphore_mem>>)
      } else {
      }
    }
    %scan3A_27 = arith.constant 20 : i32
    %scan3A_28 = arith.constant 0 : i32
    %scan3A_29 = arith.constant 40 : i32
    %scan3A_30 = arith.addi %scan3A_28, %scan3A_29 : i32
    %scan3A_31 = arith.constant 1 : i32
    scf.for %scan3A_141 = %scan3A_28 to %scan3A_30 step %scan3A_31  : i32 {
      %mul3A_142 = arith.constant 1 : i32
      %mul3A_143 = arith.muli %scan3A_141, %mul3A_142 : i32
      %add3A_144 = arith.constant 0 : i32
      %add3A_145 = arith.addi %add3A_144, %mul3A_143 : i32
      %dma_wait3A = arith.constant 0 : i32
      %dma_wait3A_146 = arith.constant 0 : i32
      %dma_wait3A_147 = tpu.memref_slice %arg11[%dma_wait3A, %dma_wait3A_146] : memref<40x128xi32, #tpu.memory_space<vmem>> -> memref<1x128xi32, #tpu.memory_space<vmem>>
      %dma_wait3A_148 = tpu.memref_squeeze %dma_wait3A_147 : memref<1x128xi32, #tpu.memory_space<vmem>> -> memref<128xi32, #tpu.memory_space<vmem>>
      %dma_wait3A_149 = arith.constant 0 : i32
      %dma_wait3A_150 = tpu.memref_slice %arg18[%dma_wait3A_149] : memref<10240xf32, #tpu.memory_space<vmem_shared>> -> memref<10240xf32, #tpu.memory_space<vmem_shared>>
      tpu.wait_indirect_dma semaphore(%arg23 : memref<!tpu.dma_semaphore, #tpu.memory_space<semaphore_mem>>) src(%arg14 : memref<128xf32, #tpu.memory_space<vmem>>) dst(%dma_wait3A_150 : memref<10240xf32, #tpu.memory_space<vmem_shared>>)
    }
    %scan3A_32 = arith.constant 40 : i32
    %barrier3A_33 = arith.constant 0 : index
    tpu.barrier barrier_id(%barrier3A_33)
    %mul3A_34 = arith.constant 640 : i32
    %mul3A_35 = arith.muli %arg1, %mul3A_34 : i32
    %run_scoped3A_36 = arith.constant 0 : i32
    "tpu.region"() ({
      %run_scoped3A_141 = tpu.sem_alloc : memref<!tpu.dma_semaphore, #tpu.memory_space<semaphore_mem>>
      %dma_start3A_142 = arith.constant 0 : i32
      %dma_start3A_143 = tpu.memref_slice %arg8[%arg0, %run_scoped3A_36, %mul3A_35, %dma_start3A_142] : memref<2x3x10240x128xf32, #tpu.memory_space<hbm>> -> memref<1x1x640x128xf32, #tpu.memory_space<hbm>>
      %dma_start3A_144 = tpu.memref_squeeze %dma_start3A_143 : memref<1x1x640x128xf32, #tpu.memory_space<hbm>> -> memref<640x128xf32, #tpu.memory_space<hbm>>
      %dma_start3A_145 = arith.constant 0 : i32
      %dma_start3A_146 = tpu.memref_slice %arg17[%mul3A_35, %dma_start3A_145] : memref<10240x128xf32, #tpu.memory_space<vmem_shared>> -> memref<640x128xf32, #tpu.memory_space<vmem_shared>>
      tpu.enqueue_dma source(%dma_start3A_146 : memref<640x128xf32, #tpu.memory_space<vmem_shared>>) target(%dma_start3A_144 : memref<640x128xf32, #tpu.memory_space<hbm>>) target_semaphore(%run_scoped3A_141 : memref<!tpu.dma_semaphore, #tpu.memory_space<semaphore_mem>>)
      %dma_wait3A = arith.constant 0 : i32
      %dma_wait3A_147 = tpu.memref_slice %arg8[%arg0, %run_scoped3A_36, %mul3A_35, %dma_wait3A] : memref<2x3x10240x128xf32, #tpu.memory_space<hbm>> -> memref<1x1x640x128xf32, #tpu.memory_space<hbm>>
      %dma_wait3A_148 = tpu.memref_squeeze %dma_wait3A_147 : memref<1x1x640x128xf32, #tpu.memory_space<hbm>> -> memref<640x128xf32, #tpu.memory_space<hbm>>
      %dma_wait3A_149 = arith.constant 0 : i32
      %dma_wait3A_150 = tpu.memref_slice %arg17[%mul3A_35, %dma_wait3A_149] : memref<10240x128xf32, #tpu.memory_space<vmem_shared>> -> memref<640x128xf32, #tpu.memory_space<vmem_shared>>
      tpu.wait_dma2 semaphore(%run_scoped3A_141 : memref<!tpu.dma_semaphore, #tpu.memory_space<semaphore_mem>>) src(%dma_wait3A_150 : memref<640x128xf32, #tpu.memory_space<vmem_shared>>) dst(%dma_wait3A_148 : memref<640x128xf32, #tpu.memory_space<hbm>>)
      tpu.yield
    }) : () -> ()
    %mul3A_37 = arith.constant 3 : i32
    %mul3A_38 = arith.muli %arg0, %mul3A_37 : i32
    %add3A_39 = arith.constant 0 : i32
    %add3A_40 = arith.addi %mul3A_38, %add3A_39 : i32
    %mul3A_41 = arith.constant 10240 : i32
    %mul3A_42 = arith.muli %add3A_40, %mul3A_41 : i32
    %add3A_43 = arith.addi %mul3A_42, %mul3A_35 : i32
    "tpu.region"() ({
      %run_scoped3A_141 = tpu.sem_alloc : memref<!tpu.dma_semaphore, #tpu.memory_space<semaphore_mem>>
      %dma_start3A_142 = tpu.memref_slice %arg9[%add3A_43] : memref<61440xf32, #tpu.memory_space<hbm>> -> memref<640xf32, #tpu.memory_space<hbm>>
      %dma_start3A_143 = tpu.memref_slice %arg18[%mul3A_35] : memref<10240xf32, #tpu.memory_space<vmem_shared>> -> memref<640xf32, #tpu.memory_space<vmem_shared>>
      tpu.enqueue_dma source(%dma_start3A_143 : memref<640xf32, #tpu.memory_space<vmem_shared>>) target(%dma_start3A_142 : memref<640xf32, #tpu.memory_space<hbm>>) target_semaphore(%run_scoped3A_141 : memref<!tpu.dma_semaphore, #tpu.memory_space<semaphore_mem>>)
      %dma_wait3A = tpu.memref_slice %arg9[%add3A_43] : memref<61440xf32, #tpu.memory_space<hbm>> -> memref<640xf32, #tpu.memory_space<hbm>>
      %dma_wait3A_144 = tpu.memref_slice %arg18[%mul3A_35] : memref<10240xf32, #tpu.memory_space<vmem_shared>> -> memref<640xf32, #tpu.memory_space<vmem_shared>>
      tpu.wait_dma2 semaphore(%run_scoped3A_141 : memref<!tpu.dma_semaphore, #tpu.memory_space<semaphore_mem>>) src(%dma_wait3A_144 : memref<640xf32, #tpu.memory_space<vmem_shared>>) dst(%dma_wait3A : memref<640xf32, #tpu.memory_space<hbm>>)
      tpu.yield
    }) : () -> ()
    %barrier3A_44 = arith.constant 0 : index
    tpu.barrier barrier_id(%barrier3A_44)
    %mul3A_45 = arith.constant 640 : i32
    %mul3A_46 = arith.muli %arg1, %mul3A_45 : i32
    %scan3A_47 = arith.constant 0 : i32
    %scan3A_48 = arith.constant 40 : i32
    %scan3A_49 = arith.addi %scan3A_47, %scan3A_48 : i32
    %scan3A_50 = arith.constant 1 : i32
    scf.for %scan3A_141 = %scan3A_47 to %scan3A_49 step %scan3A_50  : i32 {
      %mul3A_142 = arith.constant 1 : i32
      %mul3A_143 = arith.muli %scan3A_141, %mul3A_142 : i32
      %add3A_144 = arith.constant 0 : i32
      %add3A_145 = arith.addi %add3A_144, %mul3A_143 : i32
      %mul3A_146 = arith.constant 16 : i32
      %mul3A_147 = arith.muli %add3A_145, %mul3A_146 : i32
      %add3A_148 = arith.addi %mul3A_46, %mul3A_147 : i32
      "tpu.region"() ({
        %run_scoped3A_149 = tpu.sem_alloc : memref<!tpu.dma_semaphore, #tpu.memory_space<semaphore_mem>>
        %dma_start3A_150 = arith.constant 0 : i32
        %dma_start3A_151 = tpu.memref_slice %arg17[%add3A_148, %dma_start3A_150] : memref<10240x128xf32, #tpu.memory_space<vmem_shared>> -> memref<16x128xf32, #tpu.memory_space<vmem_shared>>
        %dma_start3A_152 = arith.constant 0 : i32
        %dma_start3A_153 = tpu.memref_slice %arg17[%add3A_148, %dma_start3A_152] : memref<10240x128xf32, #tpu.memory_space<vmem_shared>> -> memref<16x128xf32, #tpu.memory_space<vmem_shared>>
        tpu.enqueue_dma source(%arg15 : memref<16x128xf32, #tpu.memory_space<vmem>>) target(%dma_start3A_153 : memref<16x128xf32, #tpu.memory_space<vmem_shared>>) target_semaphore(%run_scoped3A_149 : memref<!tpu.dma_semaphore, #tpu.memory_space<semaphore_mem>>)
        %dma_wait3A = arith.constant 0 : i32
        %dma_wait3A_154 = tpu.memref_slice %arg17[%add3A_148, %dma_wait3A] : memref<10240x128xf32, #tpu.memory_space<vmem_shared>> -> memref<16x128xf32, #tpu.memory_space<vmem_shared>>
        %dma_wait3A_155 = arith.constant 0 : i32
        %dma_wait3A_156 = tpu.memref_slice %arg17[%add3A_148, %dma_wait3A_155] : memref<10240x128xf32, #tpu.memory_space<vmem_shared>> -> memref<16x128xf32, #tpu.memory_space<vmem_shared>>
        tpu.wait_dma2 semaphore(%run_scoped3A_149 : memref<!tpu.dma_semaphore, #tpu.memory_space<semaphore_mem>>) src(%arg15 : memref<16x128xf32, #tpu.memory_space<vmem>>) dst(%dma_wait3A_156 : memref<16x128xf32, #tpu.memory_space<vmem_shared>>)
        tpu.yield
      }) : () -> ()
    }
    %scan3A_51 = arith.constant 40 : i32
    "tpu.region"() ({
      %run_scoped3A_141 = tpu.sem_alloc : memref<!tpu.dma_semaphore, #tpu.memory_space<semaphore_mem>>
      %dma_start3A_142 = tpu.memref_slice %arg18[%mul3A_46] : memref<10240xf32, #tpu.memory_space<vmem_shared>> -> memref<640xf32, #tpu.memory_space<vmem_shared>>
      %dma_start3A_143 = tpu.memref_slice %arg18[%mul3A_46] : memref<10240xf32, #tpu.memory_space<vmem_shared>> -> memref<640xf32, #tpu.memory_space<vmem_shared>>
      tpu.enqueue_dma source(%arg16 : memref<640xf32, #tpu.memory_space<vmem>>) target(%dma_start3A_143 : memref<640xf32, #tpu.memory_space<vmem_shared>>) target_semaphore(%run_scoped3A_141 : memref<!tpu.dma_semaphore, #tpu.memory_space<semaphore_mem>>)
      %dma_wait3A = tpu.memref_slice %arg18[%mul3A_46] : memref<10240xf32, #tpu.memory_space<vmem_shared>> -> memref<640xf32, #tpu.memory_space<vmem_shared>>
      %dma_wait3A_144 = tpu.memref_slice %arg18[%mul3A_46] : memref<10240xf32, #tpu.memory_space<vmem_shared>> -> memref<640xf32, #tpu.memory_space<vmem_shared>>
      tpu.wait_dma2 semaphore(%run_scoped3A_141 : memref<!tpu.dma_semaphore, #tpu.memory_space<semaphore_mem>>) src(%arg16 : memref<640xf32, #tpu.memory_space<vmem>>) dst(%dma_wait3A_144 : memref<640xf32, #tpu.memory_space<vmem_shared>>)
      tpu.yield
    }) : () -> ()
    %barrier3A_52 = arith.constant 0 : index
    tpu.barrier barrier_id(%barrier3A_52)
    %mul3A_53 = arith.constant 40 : i32
    %mul3A_54 = arith.muli %add3A, %mul3A_53 : i32
    %run_scoped3A_55 = arith.constant 1 : i32
    "tpu.region"() ({
      %run_scoped3A_141 = tpu.sem_alloc : memref<!tpu.dma_semaphore, #tpu.memory_space<semaphore_mem>>
      %dma_start3A_142 = arith.constant 0 : i32
      %dma_start3A_143 = arith.constant 0 : i32
      %dma_start3A_144 = tpu.memref_slice %arg10[%dma_start3A_142, %dma_start3A_143] : memref<40x128xi32, #tpu.memory_space<vmem>> -> memref<40x128xi32, #tpu.memory_space<vmem>>
      %dma_start3A_145 = arith.constant 0 : i32
      %dma_start3A_146 = tpu.memref_slice %arg3[%run_scoped3A_55, %mul3A_54, %dma_start3A_145] : memref<3x1280x128xi32, #tpu.memory_space<hbm>> -> memref<1x40x128xi32, #tpu.memory_space<hbm>>
      %dma_start3A_147 = tpu.memref_squeeze %dma_start3A_146 : memref<1x40x128xi32, #tpu.memory_space<hbm>> -> memref<40x128xi32, #tpu.memory_space<hbm>>
      %dma_start3A_148 = arith.constant 0 : i32
      %dma_start3A_149 = arith.constant 0 : i32
      %dma_start3A_150 = tpu.memref_slice %arg10[%dma_start3A_148, %dma_start3A_149] : memref<40x128xi32, #tpu.memory_space<vmem>> -> memref<40x128xi32, #tpu.memory_space<vmem>>
      %dma_start3A_151 = arith.constant 0 : i32
      %dma_start3A_152 = tpu.memref_slice %arg3[%run_scoped3A_55, %mul3A_54, %dma_start3A_151] : memref<3x1280x128xi32, #tpu.memory_space<hbm>> -> memref<1x40x128xi32, #tpu.memory_space<hbm>>
      %dma_start3A_153 = tpu.memref_squeeze %dma_start3A_152 : memref<1x40x128xi32, #tpu.memory_space<hbm>> -> memref<40x128xi32, #tpu.memory_space<hbm>>
      tpu.enqueue_dma source(%dma_start3A_153 : memref<40x128xi32, #tpu.memory_space<hbm>>) target(%dma_start3A_150 : memref<40x128xi32, #tpu.memory_space<vmem>>) target_semaphore(%run_scoped3A_141 : memref<!tpu.dma_semaphore, #tpu.memory_space<semaphore_mem>>)
      %dma_wait3A = arith.constant 0 : i32
      %dma_wait3A_154 = arith.constant 0 : i32
      %dma_wait3A_155 = tpu.memref_slice %arg10[%dma_wait3A, %dma_wait3A_154] : memref<40x128xi32, #tpu.memory_space<vmem>> -> memref<40x128xi32, #tpu.memory_space<vmem>>
      %dma_wait3A_156 = arith.constant 0 : i32
      %dma_wait3A_157 = tpu.memref_slice %arg3[%run_scoped3A_55, %mul3A_54, %dma_wait3A_156] : memref<3x1280x128xi32, #tpu.memory_space<hbm>> -> memref<1x40x128xi32, #tpu.memory_space<hbm>>
      %dma_wait3A_158 = tpu.memref_squeeze %dma_wait3A_157 : memref<1x40x128xi32, #tpu.memory_space<hbm>> -> memref<40x128xi32, #tpu.memory_space<hbm>>
      %dma_wait3A_159 = arith.constant 0 : i32
      %dma_wait3A_160 = arith.constant 0 : i32
      %dma_wait3A_161 = tpu.memref_slice %arg10[%dma_wait3A_159, %dma_wait3A_160] : memref<40x128xi32, #tpu.memory_space<vmem>> -> memref<40x128xi32, #tpu.memory_space<vmem>>
      %dma_wait3A_162 = arith.constant 0 : i32
      %dma_wait3A_163 = tpu.memref_slice %arg3[%run_scoped3A_55, %mul3A_54, %dma_wait3A_162] : memref<3x1280x128xi32, #tpu.memory_space<hbm>> -> memref<1x40x128xi32, #tpu.memory_space<hbm>>
      %dma_wait3A_164 = tpu.memref_squeeze %dma_wait3A_163 : memref<1x40x128xi32, #tpu.memory_space<hbm>> -> memref<40x128xi32, #tpu.memory_space<hbm>>
      tpu.wait_dma2 semaphore(%run_scoped3A_141 : memref<!tpu.dma_semaphore, #tpu.memory_space<semaphore_mem>>) src(%dma_wait3A_164 : memref<40x128xi32, #tpu.memory_space<hbm>>) dst(%dma_wait3A_161 : memref<40x128xi32, #tpu.memory_space<vmem>>)
      tpu.yield
    }) : () -> ()
    %run_scoped3A_56 = arith.constant 1 : i32
    "tpu.region"() ({
      %run_scoped3A_141 = tpu.sem_alloc : memref<!tpu.dma_semaphore, #tpu.memory_space<semaphore_mem>>
      %dma_start3A_142 = arith.constant 0 : i32
      %dma_start3A_143 = arith.constant 0 : i32
      %dma_start3A_144 = tpu.memref_slice %arg11[%dma_start3A_142, %dma_start3A_143] : memref<40x128xi32, #tpu.memory_space<vmem>> -> memref<40x128xi32, #tpu.memory_space<vmem>>
      %dma_start3A_145 = arith.constant 0 : i32
      %dma_start3A_146 = tpu.memref_slice %arg4[%run_scoped3A_56, %mul3A_54, %dma_start3A_145] : memref<3x1280x128xi32, #tpu.memory_space<hbm>> -> memref<1x40x128xi32, #tpu.memory_space<hbm>>
      %dma_start3A_147 = tpu.memref_squeeze %dma_start3A_146 : memref<1x40x128xi32, #tpu.memory_space<hbm>> -> memref<40x128xi32, #tpu.memory_space<hbm>>
      %dma_start3A_148 = arith.constant 0 : i32
      %dma_start3A_149 = arith.constant 0 : i32
      %dma_start3A_150 = tpu.memref_slice %arg11[%dma_start3A_148, %dma_start3A_149] : memref<40x128xi32, #tpu.memory_space<vmem>> -> memref<40x128xi32, #tpu.memory_space<vmem>>
      %dma_start3A_151 = arith.constant 0 : i32
      %dma_start3A_152 = tpu.memref_slice %arg4[%run_scoped3A_56, %mul3A_54, %dma_start3A_151] : memref<3x1280x128xi32, #tpu.memory_space<hbm>> -> memref<1x40x128xi32, #tpu.memory_space<hbm>>
      %dma_start3A_153 = tpu.memref_squeeze %dma_start3A_152 : memref<1x40x128xi32, #tpu.memory_space<hbm>> -> memref<40x128xi32, #tpu.memory_space<hbm>>
      tpu.enqueue_dma source(%dma_start3A_153 : memref<40x128xi32, #tpu.memory_space<hbm>>) target(%dma_start3A_150 : memref<40x128xi32, #tpu.memory_space<vmem>>) target_semaphore(%run_scoped3A_141 : memref<!tpu.dma_semaphore, #tpu.memory_space<semaphore_mem>>)
      %dma_wait3A = arith.constant 0 : i32
      %dma_wait3A_154 = arith.constant 0 : i32
      %dma_wait3A_155 = tpu.memref_slice %arg11[%dma_wait3A, %dma_wait3A_154] : memref<40x128xi32, #tpu.memory_space<vmem>> -> memref<40x128xi32, #tpu.memory_space<vmem>>
      %dma_wait3A_156 = arith.constant 0 : i32
      %dma_wait3A_157 = tpu.memref_slice %arg4[%run_scoped3A_56, %mul3A_54, %dma_wait3A_156] : memref<3x1280x128xi32, #tpu.memory_space<hbm>> -> memref<1x40x128xi32, #tpu.memory_space<hbm>>
      %dma_wait3A_158 = tpu.memref_squeeze %dma_wait3A_157 : memref<1x40x128xi32, #tpu.memory_space<hbm>> -> memref<40x128xi32, #tpu.memory_space<hbm>>
      %dma_wait3A_159 = arith.constant 0 : i32
      %dma_wait3A_160 = arith.constant 0 : i32
      %dma_wait3A_161 = tpu.memref_slice %arg11[%dma_wait3A_159, %dma_wait3A_160] : memref<40x128xi32, #tpu.memory_space<vmem>> -> memref<40x128xi32, #tpu.memory_space<vmem>>
      %dma_wait3A_162 = arith.constant 0 : i32
      %dma_wait3A_163 = tpu.memref_slice %arg4[%run_scoped3A_56, %mul3A_54, %dma_wait3A_162] : memref<3x1280x128xi32, #tpu.memory_space<hbm>> -> memref<1x40x128xi32, #tpu.memory_space<hbm>>
      %dma_wait3A_164 = tpu.memref_squeeze %dma_wait3A_163 : memref<1x40x128xi32, #tpu.memory_space<hbm>> -> memref<40x128xi32, #tpu.memory_space<hbm>>
      tpu.wait_dma2 semaphore(%run_scoped3A_141 : memref<!tpu.dma_semaphore, #tpu.memory_space<semaphore_mem>>) src(%dma_wait3A_164 : memref<40x128xi32, #tpu.memory_space<hbm>>) dst(%dma_wait3A_161 : memref<40x128xi32, #tpu.memory_space<vmem>>)
      tpu.yield
    }) : () -> ()
    %dma_start3A_57 = arith.constant 0 : i32
    %dma_start3A_58 = arith.constant 0 : i32
    %dma_start3A_59 = tpu.memref_slice %arg10[%dma_start3A_57, %dma_start3A_58] : memref<40x128xi32, #tpu.memory_space<vmem>> -> memref<1x128xi32, #tpu.memory_space<vmem>>
    %dma_start3A_60 = tpu.memref_squeeze %dma_start3A_59 : memref<1x128xi32, #tpu.memory_space<vmem>> -> memref<128xi32, #tpu.memory_space<vmem>>
    %dma_start3A_61 = arith.constant 0 : i32
    %dma_start3A_62 = arith.constant 0 : i32
    %dma_start3A_63 = tpu.memref_slice %arg2[%dma_start3A_61, %dma_start3A_62] : memref<10000x128xf32, #tpu.memory_space<hbm>> -> memref<10000x128xf32, #tpu.memory_space<hbm>>
    tpu.enqueue_indirect_dma source(%dma_start3A_63 : memref<10000x128xf32, #tpu.memory_space<hbm>>) target(%arg12 : memref<128x128xf32, #tpu.memory_space<vmem>>) offsets(%dma_start3A_60 : memref<128xi32, #tpu.memory_space<vmem>>) semaphore(%arg19 : memref<!tpu.dma_semaphore, #tpu.memory_space<semaphore_mem>>)
    %dma_start3A_64 = arith.constant 1 : i32
    %dma_start3A_65 = arith.constant 0 : i32
    %dma_start3A_66 = tpu.memref_slice %arg10[%dma_start3A_64, %dma_start3A_65] : memref<40x128xi32, #tpu.memory_space<vmem>> -> memref<1x128xi32, #tpu.memory_space<vmem>>
    %dma_start3A_67 = tpu.memref_squeeze %dma_start3A_66 : memref<1x128xi32, #tpu.memory_space<vmem>> -> memref<128xi32, #tpu.memory_space<vmem>>
    %dma_start3A_68 = arith.constant 0 : i32
    %dma_start3A_69 = arith.constant 0 : i32
    %dma_start3A_70 = tpu.memref_slice %arg2[%dma_start3A_68, %dma_start3A_69] : memref<10000x128xf32, #tpu.memory_space<hbm>> -> memref<10000x128xf32, #tpu.memory_space<hbm>>
    tpu.enqueue_indirect_dma source(%dma_start3A_70 : memref<10000x128xf32, #tpu.memory_space<hbm>>) target(%arg13 : memref<128x128xf32, #tpu.memory_space<vmem>>) offsets(%dma_start3A_67 : memref<128xi32, #tpu.memory_space<vmem>>) semaphore(%arg20 : memref<!tpu.dma_semaphore, #tpu.memory_space<semaphore_mem>>)
    %scan3A_71 = arith.constant 0 : i32
    %scan3A_72 = arith.constant 20 : i32
    %scan3A_73 = arith.addi %scan3A_71, %scan3A_72 : i32
    %scan3A_74 = arith.constant 1 : i32
    scf.for %scan3A_141 = %scan3A_71 to %scan3A_73 step %scan3A_74  : i32 {
      %mul3A_142 = arith.constant 1 : i32
      %mul3A_143 = arith.muli %scan3A_141, %mul3A_142 : i32
      %add3A_144 = arith.constant 0 : i32
      %add3A_145 = arith.addi %add3A_144, %mul3A_143 : i32
      %mul3A_146 = arith.constant 2 : i32
      %mul3A_147 = arith.muli %add3A_145, %mul3A_146 : i32
      %add3A_148 = arith.constant 0 : i32
      %add3A_149 = arith.addi %mul3A_147, %add3A_148 : i32
      %dma_wait3A = arith.constant 0 : i32
      %dma_wait3A_150 = tpu.memref_slice %arg10[%add3A_149, %dma_wait3A] : memref<40x128xi32, #tpu.memory_space<vmem>> -> memref<1x128xi32, #tpu.memory_space<vmem>>
      %dma_wait3A_151 = tpu.memref_squeeze %dma_wait3A_150 : memref<1x128xi32, #tpu.memory_space<vmem>> -> memref<128xi32, #tpu.memory_space<vmem>>
      %dma_wait3A_152 = arith.constant 0 : i32
      %dma_wait3A_153 = arith.constant 0 : i32
      %dma_wait3A_154 = tpu.memref_slice %arg2[%dma_wait3A_152, %dma_wait3A_153] : memref<10000x128xf32, #tpu.memory_space<hbm>> -> memref<10000x128xf32, #tpu.memory_space<hbm>>
      tpu.wait_indirect_dma semaphore(%arg19 : memref<!tpu.dma_semaphore, #tpu.memory_space<semaphore_mem>>) src(%dma_wait3A_154 : memref<10000x128xf32, #tpu.memory_space<hbm>>) dst(%arg12 : memref<128x128xf32, #tpu.memory_space<vmem>>)
      %dma_start3A_155 = arith.constant 0 : i32
      %dma_start3A_156 = tpu.memref_slice %arg11[%add3A_149, %dma_start3A_155] : memref<40x128xi32, #tpu.memory_space<vmem>> -> memref<1x128xi32, #tpu.memory_space<vmem>>
      %dma_start3A_157 = tpu.memref_squeeze %dma_start3A_156 : memref<1x128xi32, #tpu.memory_space<vmem>> -> memref<128xi32, #tpu.memory_space<vmem>>
      %dma_start3A_158 = arith.constant 0 : i32
      %dma_start3A_159 = tpu.memref_slice %arg18[%dma_start3A_158] : memref<10240xf32, #tpu.memory_space<vmem_shared>> -> memref<10240xf32, #tpu.memory_space<vmem_shared>>
      tpu.enqueue_indirect_dma source(%arg14 : memref<128xf32, #tpu.memory_space<vmem>>) target(%dma_start3A_159 : memref<10240xf32, #tpu.memory_space<vmem_shared>>) offsets(%dma_start3A_157 : memref<128xi32, #tpu.memory_space<vmem>>) semaphore(%arg23 : memref<!tpu.dma_semaphore, #tpu.memory_space<semaphore_mem>>) {add = true}
      %dma_start3A_160 = arith.constant 0 : i32
      %dma_start3A_161 = tpu.memref_slice %arg11[%add3A_149, %dma_start3A_160] : memref<40x128xi32, #tpu.memory_space<vmem>> -> memref<1x128xi32, #tpu.memory_space<vmem>>
      %dma_start3A_162 = tpu.memref_squeeze %dma_start3A_161 : memref<1x128xi32, #tpu.memory_space<vmem>> -> memref<128xi32, #tpu.memory_space<vmem>>
      %dma_start3A_163 = arith.constant 0 : i32
      %dma_start3A_164 = arith.constant 0 : i32
      %dma_start3A_165 = tpu.memref_slice %arg17[%dma_start3A_163, %dma_start3A_164] : memref<10240x128xf32, #tpu.memory_space<vmem_shared>> -> memref<10240x128xf32, #tpu.memory_space<vmem_shared>>
      tpu.enqueue_indirect_dma source(%arg12 : memref<128x128xf32, #tpu.memory_space<vmem>>) target(%dma_start3A_165 : memref<10240x128xf32, #tpu.memory_space<vmem_shared>>) offsets(%dma_start3A_162 : memref<128xi32, #tpu.memory_space<vmem>>) semaphore(%arg21 : memref<!tpu.dma_semaphore, #tpu.memory_space<semaphore_mem>>) {add = true}
      %dma_wait3A_166 = arith.constant 0 : i32
      %dma_wait3A_167 = tpu.memref_slice %arg11[%add3A_149, %dma_wait3A_166] : memref<40x128xi32, #tpu.memory_space<vmem>> -> memref<1x128xi32, #tpu.memory_space<vmem>>
      %dma_wait3A_168 = tpu.memref_squeeze %dma_wait3A_167 : memref<1x128xi32, #tpu.memory_space<vmem>> -> memref<128xi32, #tpu.memory_space<vmem>>
      %dma_wait3A_169 = arith.constant 0 : i32
      %dma_wait3A_170 = arith.constant 0 : i32
      %dma_wait3A_171 = tpu.memref_slice %arg17[%dma_wait3A_169, %dma_wait3A_170] : memref<10240x128xf32, #tpu.memory_space<vmem_shared>> -> memref<10240x128xf32, #tpu.memory_space<vmem_shared>>
      tpu.wait_indirect_dma semaphore(%arg21 : memref<!tpu.dma_semaphore, #tpu.memory_space<semaphore_mem>>) src(%arg12 : memref<128x128xf32, #tpu.memory_space<vmem>>) dst(%dma_wait3A_171 : memref<10240x128xf32, #tpu.memory_space<vmem_shared>>)
      %lt3A = arith.constant 38 : i32
      %lt3A_172 = arith.cmpi slt, %add3A_149, %lt3A : i32
      %convert_element_type3A = arith.extui %lt3A_172 : i1 to i32
      %cond3A = arith.constant 0 : i32
      %cond3A_173 = arith.cmpi ne, %convert_element_type3A, %cond3A : i32
      scf.if %cond3A_173 {
        %add3A_206 = arith.constant 2 : i32
        %add3A_207 = arith.addi %add3A_149, %add3A_206 : i32
        %dma_start3A_208 = arith.constant 0 : i32
        %dma_start3A_209 = tpu.memref_slice %arg10[%add3A_207, %dma_start3A_208] : memref<40x128xi32, #tpu.memory_space<vmem>> -> memref<1x128xi32, #tpu.memory_space<vmem>>
        %dma_start3A_210 = tpu.memref_squeeze %dma_start3A_209 : memref<1x128xi32, #tpu.memory_space<vmem>> -> memref<128xi32, #tpu.memory_space<vmem>>
        %dma_start3A_211 = arith.constant 0 : i32
        %dma_start3A_212 = arith.constant 0 : i32
        %dma_start3A_213 = tpu.memref_slice %arg2[%dma_start3A_211, %dma_start3A_212] : memref<10000x128xf32, #tpu.memory_space<hbm>> -> memref<10000x128xf32, #tpu.memory_space<hbm>>
        tpu.enqueue_indirect_dma source(%dma_start3A_213 : memref<10000x128xf32, #tpu.memory_space<hbm>>) target(%arg12 : memref<128x128xf32, #tpu.memory_space<vmem>>) offsets(%dma_start3A_210 : memref<128xi32, #tpu.memory_space<vmem>>) semaphore(%arg19 : memref<!tpu.dma_semaphore, #tpu.memory_space<semaphore_mem>>)
      } else {
      }
      %mul3A_174 = arith.constant 2 : i32
      %mul3A_175 = arith.muli %add3A_145, %mul3A_174 : i32
      %add3A_176 = arith.constant 1 : i32
      %add3A_177 = arith.addi %mul3A_175, %add3A_176 : i32
      %dma_wait3A_178 = arith.constant 0 : i32
      %dma_wait3A_179 = tpu.memref_slice %arg10[%add3A_177, %dma_wait3A_178] : memref<40x128xi32, #tpu.memory_space<vmem>> -> memref<1x128xi32, #tpu.memory_space<vmem>>
      %dma_wait3A_180 = tpu.memref_squeeze %dma_wait3A_179 : memref<1x128xi32, #tpu.memory_space<vmem>> -> memref<128xi32, #tpu.memory_space<vmem>>
      %dma_wait3A_181 = arith.constant 0 : i32
      %dma_wait3A_182 = arith.constant 0 : i32
      %dma_wait3A_183 = tpu.memref_slice %arg2[%dma_wait3A_181, %dma_wait3A_182] : memref<10000x128xf32, #tpu.memory_space<hbm>> -> memref<10000x128xf32, #tpu.memory_space<hbm>>
      tpu.wait_indirect_dma semaphore(%arg20 : memref<!tpu.dma_semaphore, #tpu.memory_space<semaphore_mem>>) src(%dma_wait3A_183 : memref<10000x128xf32, #tpu.memory_space<hbm>>) dst(%arg13 : memref<128x128xf32, #tpu.memory_space<vmem>>)
      %dma_start3A_184 = arith.constant 0 : i32
      %dma_start3A_185 = tpu.memref_slice %arg11[%add3A_177, %dma_start3A_184] : memref<40x128xi32, #tpu.memory_space<vmem>> -> memref<1x128xi32, #tpu.memory_space<vmem>>
      %dma_start3A_186 = tpu.memref_squeeze %dma_start3A_185 : memref<1x128xi32, #tpu.memory_space<vmem>> -> memref<128xi32, #tpu.memory_space<vmem>>
      %dma_start3A_187 = arith.constant 0 : i32
      %dma_start3A_188 = tpu.memref_slice %arg18[%dma_start3A_187] : memref<10240xf32, #tpu.memory_space<vmem_shared>> -> memref<10240xf32, #tpu.memory_space<vmem_shared>>
      tpu.enqueue_indirect_dma source(%arg14 : memref<128xf32, #tpu.memory_space<vmem>>) target(%dma_start3A_188 : memref<10240xf32, #tpu.memory_space<vmem_shared>>) offsets(%dma_start3A_186 : memref<128xi32, #tpu.memory_space<vmem>>) semaphore(%arg23 : memref<!tpu.dma_semaphore, #tpu.memory_space<semaphore_mem>>) {add = true}
      %dma_start3A_189 = arith.constant 0 : i32
      %dma_start3A_190 = tpu.memref_slice %arg11[%add3A_177, %dma_start3A_189] : memref<40x128xi32, #tpu.memory_space<vmem>> -> memref<1x128xi32, #tpu.memory_space<vmem>>
      %dma_start3A_191 = tpu.memref_squeeze %dma_start3A_190 : memref<1x128xi32, #tpu.memory_space<vmem>> -> memref<128xi32, #tpu.memory_space<vmem>>
      %dma_start3A_192 = arith.constant 0 : i32
      %dma_start3A_193 = arith.constant 0 : i32
      %dma_start3A_194 = tpu.memref_slice %arg17[%dma_start3A_192, %dma_start3A_193] : memref<10240x128xf32, #tpu.memory_space<vmem_shared>> -> memref<10240x128xf32, #tpu.memory_space<vmem_shared>>
      tpu.enqueue_indirect_dma source(%arg13 : memref<128x128xf32, #tpu.memory_space<vmem>>) target(%dma_start3A_194 : memref<10240x128xf32, #tpu.memory_space<vmem_shared>>) offsets(%dma_start3A_191 : memref<128xi32, #tpu.memory_space<vmem>>) semaphore(%arg22 : memref<!tpu.dma_semaphore, #tpu.memory_space<semaphore_mem>>) {add = true}
      %dma_wait3A_195 = arith.constant 0 : i32
      %dma_wait3A_196 = tpu.memref_slice %arg11[%add3A_177, %dma_wait3A_195] : memref<40x128xi32, #tpu.memory_space<vmem>> -> memref<1x128xi32, #tpu.memory_space<vmem>>
      %dma_wait3A_197 = tpu.memref_squeeze %dma_wait3A_196 : memref<1x128xi32, #tpu.memory_space<vmem>> -> memref<128xi32, #tpu.memory_space<vmem>>
      %dma_wait3A_198 = arith.constant 0 : i32
      %dma_wait3A_199 = arith.constant 0 : i32
      %dma_wait3A_200 = tpu.memref_slice %arg17[%dma_wait3A_198, %dma_wait3A_199] : memref<10240x128xf32, #tpu.memory_space<vmem_shared>> -> memref<10240x128xf32, #tpu.memory_space<vmem_shared>>
      tpu.wait_indirect_dma semaphore(%arg22 : memref<!tpu.dma_semaphore, #tpu.memory_space<semaphore_mem>>) src(%arg13 : memref<128x128xf32, #tpu.memory_space<vmem>>) dst(%dma_wait3A_200 : memref<10240x128xf32, #tpu.memory_space<vmem_shared>>)
      %lt3A_201 = arith.constant 38 : i32
      %lt3A_202 = arith.cmpi slt, %add3A_177, %lt3A_201 : i32
      %convert_element_type3A_203 = arith.extui %lt3A_202 : i1 to i32
      %cond3A_204 = arith.constant 0 : i32
      %cond3A_205 = arith.cmpi ne, %convert_element_type3A_203, %cond3A_204 : i32
      scf.if %cond3A_205 {
        %add3A_206 = arith.constant 2 : i32
        %add3A_207 = arith.addi %add3A_177, %add3A_206 : i32
        %dma_start3A_208 = arith.constant 0 : i32
        %dma_start3A_209 = tpu.memref_slice %arg10[%add3A_207, %dma_start3A_208] : memref<40x128xi32, #tpu.memory_space<vmem>> -> memref<1x128xi32, #tpu.memory_space<vmem>>
        %dma_start3A_210 = tpu.memref_squeeze %dma_start3A_209 : memref<1x128xi32, #tpu.memory_space<vmem>> -> memref<128xi32, #tpu.memory_space<vmem>>
        %dma_start3A_211 = arith.constant 0 : i32
        %dma_start3A_212 = arith.constant 0 : i32
        %dma_start3A_213 = tpu.memref_slice %arg2[%dma_start3A_211, %dma_start3A_212] : memref<10000x128xf32, #tpu.memory_space<hbm>> -> memref<10000x128xf32, #tpu.memory_space<hbm>>
        tpu.enqueue_indirect_dma source(%dma_start3A_213 : memref<10000x128xf32, #tpu.memory_space<hbm>>) target(%arg13 : memref<128x128xf32, #tpu.memory_space<vmem>>) offsets(%dma_start3A_210 : memref<128xi32, #tpu.memory_space<vmem>>) semaphore(%arg20 : memref<!tpu.dma_semaphore, #tpu.memory_space<semaphore_mem>>)
      } else {
      }
    }
    %scan3A_75 = arith.constant 20 : i32
    %scan3A_76 = arith.constant 0 : i32
    %scan3A_77 = arith.constant 40 : i32
    %scan3A_78 = arith.addi %scan3A_76, %scan3A_77 : i32
    %scan3A_79 = arith.constant 1 : i32
    scf.for %scan3A_141 = %scan3A_76 to %scan3A_78 step %scan3A_79  : i32 {
      %mul3A_142 = arith.constant 1 : i32
      %mul3A_143 = arith.muli %scan3A_141, %mul3A_142 : i32
      %add3A_144 = arith.constant 0 : i32
      %add3A_145 = arith.addi %add3A_144, %mul3A_143 : i32
      %dma_wait3A = arith.constant 0 : i32
      %dma_wait3A_146 = arith.constant 0 : i32
      %dma_wait3A_147 = tpu.memref_slice %arg11[%dma_wait3A, %dma_wait3A_146] : memref<40x128xi32, #tpu.memory_space<vmem>> -> memref<1x128xi32, #tpu.memory_space<vmem>>
      %dma_wait3A_148 = tpu.memref_squeeze %dma_wait3A_147 : memref<1x128xi32, #tpu.memory_space<vmem>> -> memref<128xi32, #tpu.memory_space<vmem>>
      %dma_wait3A_149 = arith.constant 0 : i32
      %dma_wait3A_150 = tpu.memref_slice %arg18[%dma_wait3A_149] : memref<10240xf32, #tpu.memory_space<vmem_shared>> -> memref<10240xf32, #tpu.memory_space<vmem_shared>>
      tpu.wait_indirect_dma semaphore(%arg23 : memref<!tpu.dma_semaphore, #tpu.memory_space<semaphore_mem>>) src(%arg14 : memref<128xf32, #tpu.memory_space<vmem>>) dst(%dma_wait3A_150 : memref<10240xf32, #tpu.memory_space<vmem_shared>>)
    }
    %scan3A_80 = arith.constant 40 : i32
    %barrier3A_81 = arith.constant 0 : index
    tpu.barrier barrier_id(%barrier3A_81)
    %mul3A_82 = arith.constant 640 : i32
    %mul3A_83 = arith.muli %arg1, %mul3A_82 : i32
    %run_scoped3A_84 = arith.constant 1 : i32
    "tpu.region"() ({
      %run_scoped3A_141 = tpu.sem_alloc : memref<!tpu.dma_semaphore, #tpu.memory_space<semaphore_mem>>
      %dma_start3A_142 = arith.constant 0 : i32
      %dma_start3A_143 = tpu.memref_slice %arg8[%arg0, %run_scoped3A_84, %mul3A_83, %dma_start3A_142] : memref<2x3x10240x128xf32, #tpu.memory_space<hbm>> -> memref<1x1x640x128xf32, #tpu.memory_space<hbm>>
      %dma_start3A_144 = tpu.memref_squeeze %dma_start3A_143 : memref<1x1x640x128xf32, #tpu.memory_space<hbm>> -> memref<640x128xf32, #tpu.memory_space<hbm>>
      %dma_start3A_145 = arith.constant 0 : i32
      %dma_start3A_146 = tpu.memref_slice %arg17[%mul3A_83, %dma_start3A_145] : memref<10240x128xf32, #tpu.memory_space<vmem_shared>> -> memref<640x128xf32, #tpu.memory_space<vmem_shared>>
      tpu.enqueue_dma source(%dma_start3A_146 : memref<640x128xf32, #tpu.memory_space<vmem_shared>>) target(%dma_start3A_144 : memref<640x128xf32, #tpu.memory_space<hbm>>) target_semaphore(%run_scoped3A_141 : memref<!tpu.dma_semaphore, #tpu.memory_space<semaphore_mem>>)
      %dma_wait3A = arith.constant 0 : i32
      %dma_wait3A_147 = tpu.memref_slice %arg8[%arg0, %run_scoped3A_84, %mul3A_83, %dma_wait3A] : memref<2x3x10240x128xf32, #tpu.memory_space<hbm>> -> memref<1x1x640x128xf32, #tpu.memory_space<hbm>>
      %dma_wait3A_148 = tpu.memref_squeeze %dma_wait3A_147 : memref<1x1x640x128xf32, #tpu.memory_space<hbm>> -> memref<640x128xf32, #tpu.memory_space<hbm>>
      %dma_wait3A_149 = arith.constant 0 : i32
      %dma_wait3A_150 = tpu.memref_slice %arg17[%mul3A_83, %dma_wait3A_149] : memref<10240x128xf32, #tpu.memory_space<vmem_shared>> -> memref<640x128xf32, #tpu.memory_space<vmem_shared>>
      tpu.wait_dma2 semaphore(%run_scoped3A_141 : memref<!tpu.dma_semaphore, #tpu.memory_space<semaphore_mem>>) src(%dma_wait3A_150 : memref<640x128xf32, #tpu.memory_space<vmem_shared>>) dst(%dma_wait3A_148 : memref<640x128xf32, #tpu.memory_space<hbm>>)
      tpu.yield
    }) : () -> ()
    %mul3A_85 = arith.constant 3 : i32
    %mul3A_86 = arith.muli %arg0, %mul3A_85 : i32
    %add3A_87 = arith.constant 1 : i32
    %add3A_88 = arith.addi %mul3A_86, %add3A_87 : i32
    %mul3A_89 = arith.constant 10240 : i32
    %mul3A_90 = arith.muli %add3A_88, %mul3A_89 : i32
    %add3A_91 = arith.addi %mul3A_90, %mul3A_83 : i32
    "tpu.region"() ({
      %run_scoped3A_141 = tpu.sem_alloc : memref<!tpu.dma_semaphore, #tpu.memory_space<semaphore_mem>>
      %dma_start3A_142 = tpu.memref_slice %arg9[%add3A_91] : memref<61440xf32, #tpu.memory_space<hbm>> -> memref<640xf32, #tpu.memory_space<hbm>>
      %dma_start3A_143 = tpu.memref_slice %arg18[%mul3A_83] : memref<10240xf32, #tpu.memory_space<vmem_shared>> -> memref<640xf32, #tpu.memory_space<vmem_shared>>
      tpu.enqueue_dma source(%dma_start3A_143 : memref<640xf32, #tpu.memory_space<vmem_shared>>) target(%dma_start3A_142 : memref<640xf32, #tpu.memory_space<hbm>>) target_semaphore(%run_scoped3A_141 : memref<!tpu.dma_semaphore, #tpu.memory_space<semaphore_mem>>)
      %dma_wait3A = tpu.memref_slice %arg9[%add3A_91] : memref<61440xf32, #tpu.memory_space<hbm>> -> memref<640xf32, #tpu.memory_space<hbm>>
      %dma_wait3A_144 = tpu.memref_slice %arg18[%mul3A_83] : memref<10240xf32, #tpu.memory_space<vmem_shared>> -> memref<640xf32, #tpu.memory_space<vmem_shared>>
      tpu.wait_dma2 semaphore(%run_scoped3A_141 : memref<!tpu.dma_semaphore, #tpu.memory_space<semaphore_mem>>) src(%dma_wait3A_144 : memref<640xf32, #tpu.memory_space<vmem_shared>>) dst(%dma_wait3A : memref<640xf32, #tpu.memory_space<hbm>>)
      tpu.yield
    }) : () -> ()
    %barrier3A_92 = arith.constant 0 : index
    tpu.barrier barrier_id(%barrier3A_92)
    %mul3A_93 = arith.constant 640 : i32
    %mul3A_94 = arith.muli %arg1, %mul3A_93 : i32
    %scan3A_95 = arith.constant 0 : i32
    %scan3A_96 = arith.constant 40 : i32
    %scan3A_97 = arith.addi %scan3A_95, %scan3A_96 : i32
    %scan3A_98 = arith.constant 1 : i32
    scf.for %scan3A_141 = %scan3A_95 to %scan3A_97 step %scan3A_98  : i32 {
      %mul3A_142 = arith.constant 1 : i32
      %mul3A_143 = arith.muli %scan3A_141, %mul3A_142 : i32
      %add3A_144 = arith.constant 0 : i32
      %add3A_145 = arith.addi %add3A_144, %mul3A_143 : i32
      %mul3A_146 = arith.constant 16 : i32
      %mul3A_147 = arith.muli %add3A_145, %mul3A_146 : i32
      %add3A_148 = arith.addi %mul3A_94, %mul3A_147 : i32
      "tpu.region"() ({
        %run_scoped3A_149 = tpu.sem_alloc : memref<!tpu.dma_semaphore, #tpu.memory_space<semaphore_mem>>
        %dma_start3A_150 = arith.constant 0 : i32
        %dma_start3A_151 = tpu.memref_slice %arg17[%add3A_148, %dma_start3A_150] : memref<10240x128xf32, #tpu.memory_space<vmem_shared>> -> memref<16x128xf32, #tpu.memory_space<vmem_shared>>
        %dma_start3A_152 = arith.constant 0 : i32
        %dma_start3A_153 = tpu.memref_slice %arg17[%add3A_148, %dma_start3A_152] : memref<10240x128xf32, #tpu.memory_space<vmem_shared>> -> memref<16x128xf32, #tpu.memory_space<vmem_shared>>
        tpu.enqueue_dma source(%arg15 : memref<16x128xf32, #tpu.memory_space<vmem>>) target(%dma_start3A_153 : memref<16x128xf32, #tpu.memory_space<vmem_shared>>) target_semaphore(%run_scoped3A_149 : memref<!tpu.dma_semaphore, #tpu.memory_space<semaphore_mem>>)
        %dma_wait3A = arith.constant 0 : i32
        %dma_wait3A_154 = tpu.memref_slice %arg17[%add3A_148, %dma_wait3A] : memref<10240x128xf32, #tpu.memory_space<vmem_shared>> -> memref<16x128xf32, #tpu.memory_space<vmem_shared>>
        %dma_wait3A_155 = arith.constant 0 : i32
        %dma_wait3A_156 = tpu.memref_slice %arg17[%add3A_148, %dma_wait3A_155] : memref<10240x128xf32, #tpu.memory_space<vmem_shared>> -> memref<16x128xf32, #tpu.memory_space<vmem_shared>>
        tpu.wait_dma2 semaphore(%run_scoped3A_149 : memref<!tpu.dma_semaphore, #tpu.memory_space<semaphore_mem>>) src(%arg15 : memref<16x128xf32, #tpu.memory_space<vmem>>) dst(%dma_wait3A_156 : memref<16x128xf32, #tpu.memory_space<vmem_shared>>)
        tpu.yield
      }) : () -> ()
    }
    %scan3A_99 = arith.constant 40 : i32
    "tpu.region"() ({
      %run_scoped3A_141 = tpu.sem_alloc : memref<!tpu.dma_semaphore, #tpu.memory_space<semaphore_mem>>
      %dma_start3A_142 = tpu.memref_slice %arg18[%mul3A_94] : memref<10240xf32, #tpu.memory_space<vmem_shared>> -> memref<640xf32, #tpu.memory_space<vmem_shared>>
      %dma_start3A_143 = tpu.memref_slice %arg18[%mul3A_94] : memref<10240xf32, #tpu.memory_space<vmem_shared>> -> memref<640xf32, #tpu.memory_space<vmem_shared>>
      tpu.enqueue_dma source(%arg16 : memref<640xf32, #tpu.memory_space<vmem>>) target(%dma_start3A_143 : memref<640xf32, #tpu.memory_space<vmem_shared>>) target_semaphore(%run_scoped3A_141 : memref<!tpu.dma_semaphore, #tpu.memory_space<semaphore_mem>>)
      %dma_wait3A = tpu.memref_slice %arg18[%mul3A_94] : memref<10240xf32, #tpu.memory_space<vmem_shared>> -> memref<640xf32, #tpu.memory_space<vmem_shared>>
      %dma_wait3A_144 = tpu.memref_slice %arg18[%mul3A_94] : memref<10240xf32, #tpu.memory_space<vmem_shared>> -> memref<640xf32, #tpu.memory_space<vmem_shared>>
      tpu.wait_dma2 semaphore(%run_scoped3A_141 : memref<!tpu.dma_semaphore, #tpu.memory_space<semaphore_mem>>) src(%arg16 : memref<640xf32, #tpu.memory_space<vmem>>) dst(%dma_wait3A_144 : memref<640xf32, #tpu.memory_space<vmem_shared>>)
      tpu.yield
    }) : () -> ()
    %barrier3A_100 = arith.constant 0 : index
    tpu.barrier barrier_id(%barrier3A_100)
    %mul3A_101 = arith.constant 40 : i32
    %mul3A_102 = arith.muli %add3A, %mul3A_101 : i32
    %run_scoped3A_103 = arith.constant 2 : i32
    "tpu.region"() ({
      %run_scoped3A_141 = tpu.sem_alloc : memref<!tpu.dma_semaphore, #tpu.memory_space<semaphore_mem>>
      %dma_start3A_142 = arith.constant 0 : i32
      %dma_start3A_143 = arith.constant 0 : i32
      %dma_start3A_144 = tpu.memref_slice %arg10[%dma_start3A_142, %dma_start3A_143] : memref<40x128xi32, #tpu.memory_space<vmem>> -> memref<40x128xi32, #tpu.memory_space<vmem>>
      %dma_start3A_145 = arith.constant 0 : i32
      %dma_start3A_146 = tpu.memref_slice %arg3[%run_scoped3A_103, %mul3A_102, %dma_start3A_145] : memref<3x1280x128xi32, #tpu.memory_space<hbm>> -> memref<1x40x128xi32, #tpu.memory_space<hbm>>
      %dma_start3A_147 = tpu.memref_squeeze %dma_start3A_146 : memref<1x40x128xi32, #tpu.memory_space<hbm>> -> memref<40x128xi32, #tpu.memory_space<hbm>>
      %dma_start3A_148 = arith.constant 0 : i32
      %dma_start3A_149 = arith.constant 0 : i32
      %dma_start3A_150 = tpu.memref_slice %arg10[%dma_start3A_148, %dma_start3A_149] : memref<40x128xi32, #tpu.memory_space<vmem>> -> memref<40x128xi32, #tpu.memory_space<vmem>>
      %dma_start3A_151 = arith.constant 0 : i32
      %dma_start3A_152 = tpu.memref_slice %arg3[%run_scoped3A_103, %mul3A_102, %dma_start3A_151] : memref<3x1280x128xi32, #tpu.memory_space<hbm>> -> memref<1x40x128xi32, #tpu.memory_space<hbm>>
      %dma_start3A_153 = tpu.memref_squeeze %dma_start3A_152 : memref<1x40x128xi32, #tpu.memory_space<hbm>> -> memref<40x128xi32, #tpu.memory_space<hbm>>
      tpu.enqueue_dma source(%dma_start3A_153 : memref<40x128xi32, #tpu.memory_space<hbm>>) target(%dma_start3A_150 : memref<40x128xi32, #tpu.memory_space<vmem>>) target_semaphore(%run_scoped3A_141 : memref<!tpu.dma_semaphore, #tpu.memory_space<semaphore_mem>>)
      %dma_wait3A = arith.constant 0 : i32
      %dma_wait3A_154 = arith.constant 0 : i32
      %dma_wait3A_155 = tpu.memref_slice %arg10[%dma_wait3A, %dma_wait3A_154] : memref<40x128xi32, #tpu.memory_space<vmem>> -> memref<40x128xi32, #tpu.memory_space<vmem>>
      %dma_wait3A_156 = arith.constant 0 : i32
      %dma_wait3A_157 = tpu.memref_slice %arg3[%run_scoped3A_103, %mul3A_102, %dma_wait3A_156] : memref<3x1280x128xi32, #tpu.memory_space<hbm>> -> memref<1x40x128xi32, #tpu.memory_space<hbm>>
      %dma_wait3A_158 = tpu.memref_squeeze %dma_wait3A_157 : memref<1x40x128xi32, #tpu.memory_space<hbm>> -> memref<40x128xi32, #tpu.memory_space<hbm>>
      %dma_wait3A_159 = arith.constant 0 : i32
      %dma_wait3A_160 = arith.constant 0 : i32
      %dma_wait3A_161 = tpu.memref_slice %arg10[%dma_wait3A_159, %dma_wait3A_160] : memref<40x128xi32, #tpu.memory_space<vmem>> -> memref<40x128xi32, #tpu.memory_space<vmem>>
      %dma_wait3A_162 = arith.constant 0 : i32
      %dma_wait3A_163 = tpu.memref_slice %arg3[%run_scoped3A_103, %mul3A_102, %dma_wait3A_162] : memref<3x1280x128xi32, #tpu.memory_space<hbm>> -> memref<1x40x128xi32, #tpu.memory_space<hbm>>
      %dma_wait3A_164 = tpu.memref_squeeze %dma_wait3A_163 : memref<1x40x128xi32, #tpu.memory_space<hbm>> -> memref<40x128xi32, #tpu.memory_space<hbm>>
      tpu.wait_dma2 semaphore(%run_scoped3A_141 : memref<!tpu.dma_semaphore, #tpu.memory_space<semaphore_mem>>) src(%dma_wait3A_164 : memref<40x128xi32, #tpu.memory_space<hbm>>) dst(%dma_wait3A_161 : memref<40x128xi32, #tpu.memory_space<vmem>>)
      tpu.yield
    }) : () -> ()
    %run_scoped3A_104 = arith.constant 2 : i32
    "tpu.region"() ({
      %run_scoped3A_141 = tpu.sem_alloc : memref<!tpu.dma_semaphore, #tpu.memory_space<semaphore_mem>>
      %dma_start3A_142 = arith.constant 0 : i32
      %dma_start3A_143 = arith.constant 0 : i32
      %dma_start3A_144 = tpu.memref_slice %arg11[%dma_start3A_142, %dma_start3A_143] : memref<40x128xi32, #tpu.memory_space<vmem>> -> memref<40x128xi32, #tpu.memory_space<vmem>>
      %dma_start3A_145 = arith.constant 0 : i32
      %dma_start3A_146 = tpu.memref_slice %arg4[%run_scoped3A_104, %mul3A_102, %dma_start3A_145] : memref<3x1280x128xi32, #tpu.memory_space<hbm>> -> memref<1x40x128xi32, #tpu.memory_space<hbm>>
      %dma_start3A_147 = tpu.memref_squeeze %dma_start3A_146 : memref<1x40x128xi32, #tpu.memory_space<hbm>> -> memref<40x128xi32, #tpu.memory_space<hbm>>
      %dma_start3A_148 = arith.constant 0 : i32
      %dma_start3A_149 = arith.constant 0 : i32
      %dma_start3A_150 = tpu.memref_slice %arg11[%dma_start3A_148, %dma_start3A_149] : memref<40x128xi32, #tpu.memory_space<vmem>> -> memref<40x128xi32, #tpu.memory_space<vmem>>
      %dma_start3A_151 = arith.constant 0 : i32
      %dma_start3A_152 = tpu.memref_slice %arg4[%run_scoped3A_104, %mul3A_102, %dma_start3A_151] : memref<3x1280x128xi32, #tpu.memory_space<hbm>> -> memref<1x40x128xi32, #tpu.memory_space<hbm>>
      %dma_start3A_153 = tpu.memref_squeeze %dma_start3A_152 : memref<1x40x128xi32, #tpu.memory_space<hbm>> -> memref<40x128xi32, #tpu.memory_space<hbm>>
      tpu.enqueue_dma source(%dma_start3A_153 : memref<40x128xi32, #tpu.memory_space<hbm>>) target(%dma_start3A_150 : memref<40x128xi32, #tpu.memory_space<vmem>>) target_semaphore(%run_scoped3A_141 : memref<!tpu.dma_semaphore, #tpu.memory_space<semaphore_mem>>)
      %dma_wait3A = arith.constant 0 : i32
      %dma_wait3A_154 = arith.constant 0 : i32
      %dma_wait3A_155 = tpu.memref_slice %arg11[%dma_wait3A, %dma_wait3A_154] : memref<40x128xi32, #tpu.memory_space<vmem>> -> memref<40x128xi32, #tpu.memory_space<vmem>>
      %dma_wait3A_156 = arith.constant 0 : i32
      %dma_wait3A_157 = tpu.memref_slice %arg4[%run_scoped3A_104, %mul3A_102, %dma_wait3A_156] : memref<3x1280x128xi32, #tpu.memory_space<hbm>> -> memref<1x40x128xi32, #tpu.memory_space<hbm>>
      %dma_wait3A_158 = tpu.memref_squeeze %dma_wait3A_157 : memref<1x40x128xi32, #tpu.memory_space<hbm>> -> memref<40x128xi32, #tpu.memory_space<hbm>>
      %dma_wait3A_159 = arith.constant 0 : i32
      %dma_wait3A_160 = arith.constant 0 : i32
      %dma_wait3A_161 = tpu.memref_slice %arg11[%dma_wait3A_159, %dma_wait3A_160] : memref<40x128xi32, #tpu.memory_space<vmem>> -> memref<40x128xi32, #tpu.memory_space<vmem>>
      %dma_wait3A_162 = arith.constant 0 : i32
      %dma_wait3A_163 = tpu.memref_slice %arg4[%run_scoped3A_104, %mul3A_102, %dma_wait3A_162] : memref<3x1280x128xi32, #tpu.memory_space<hbm>> -> memref<1x40x128xi32, #tpu.memory_space<hbm>>
      %dma_wait3A_164 = tpu.memref_squeeze %dma_wait3A_163 : memref<1x40x128xi32, #tpu.memory_space<hbm>> -> memref<40x128xi32, #tpu.memory_space<hbm>>
      tpu.wait_dma2 semaphore(%run_scoped3A_141 : memref<!tpu.dma_semaphore, #tpu.memory_space<semaphore_mem>>) src(%dma_wait3A_164 : memref<40x128xi32, #tpu.memory_space<hbm>>) dst(%dma_wait3A_161 : memref<40x128xi32, #tpu.memory_space<vmem>>)
      tpu.yield
    }) : () -> ()
    %dma_start3A_105 = arith.constant 0 : i32
    %dma_start3A_106 = arith.constant 0 : i32
    %dma_start3A_107 = tpu.memref_slice %arg10[%dma_start3A_105, %dma_start3A_106] : memref<40x128xi32, #tpu.memory_space<vmem>> -> memref<1x128xi32, #tpu.memory_space<vmem>>
    %dma_start3A_108 = tpu.memref_squeeze %dma_start3A_107 : memref<1x128xi32, #tpu.memory_space<vmem>> -> memref<128xi32, #tpu.memory_space<vmem>>
    %dma_start3A_109 = arith.constant 0 : i32
    %dma_start3A_110 = arith.constant 0 : i32
    %dma_start3A_111 = tpu.memref_slice %arg2[%dma_start3A_109, %dma_start3A_110] : memref<10000x128xf32, #tpu.memory_space<hbm>> -> memref<10000x128xf32, #tpu.memory_space<hbm>>
    tpu.enqueue_indirect_dma source(%dma_start3A_111 : memref<10000x128xf32, #tpu.memory_space<hbm>>) target(%arg12 : memref<128x128xf32, #tpu.memory_space<vmem>>) offsets(%dma_start3A_108 : memref<128xi32, #tpu.memory_space<vmem>>) semaphore(%arg19 : memref<!tpu.dma_semaphore, #tpu.memory_space<semaphore_mem>>)
    %dma_start3A_112 = arith.constant 1 : i32
    %dma_start3A_113 = arith.constant 0 : i32
    %dma_start3A_114 = tpu.memref_slice %arg10[%dma_start3A_112, %dma_start3A_113] : memref<40x128xi32, #tpu.memory_space<vmem>> -> memref<1x128xi32, #tpu.memory_space<vmem>>
    %dma_start3A_115 = tpu.memref_squeeze %dma_start3A_114 : memref<1x128xi32, #tpu.memory_space<vmem>> -> memref<128xi32, #tpu.memory_space<vmem>>
    %dma_start3A_116 = arith.constant 0 : i32
    %dma_start3A_117 = arith.constant 0 : i32
    %dma_start3A_118 = tpu.memref_slice %arg2[%dma_start3A_116, %dma_start3A_117] : memref<10000x128xf32, #tpu.memory_space<hbm>> -> memref<10000x128xf32, #tpu.memory_space<hbm>>
    tpu.enqueue_indirect_dma source(%dma_start3A_118 : memref<10000x128xf32, #tpu.memory_space<hbm>>) target(%arg13 : memref<128x128xf32, #tpu.memory_space<vmem>>) offsets(%dma_start3A_115 : memref<128xi32, #tpu.memory_space<vmem>>) semaphore(%arg20 : memref<!tpu.dma_semaphore, #tpu.memory_space<semaphore_mem>>)
    %scan3A_119 = arith.constant 0 : i32
    %scan3A_120 = arith.constant 20 : i32
    %scan3A_121 = arith.addi %scan3A_119, %scan3A_120 : i32
    %scan3A_122 = arith.constant 1 : i32
    scf.for %scan3A_141 = %scan3A_119 to %scan3A_121 step %scan3A_122  : i32 {
      %mul3A_142 = arith.constant 1 : i32
      %mul3A_143 = arith.muli %scan3A_141, %mul3A_142 : i32
      %add3A_144 = arith.constant 0 : i32
      %add3A_145 = arith.addi %add3A_144, %mul3A_143 : i32
      %mul3A_146 = arith.constant 2 : i32
      %mul3A_147 = arith.muli %add3A_145, %mul3A_146 : i32
      %add3A_148 = arith.constant 0 : i32
      %add3A_149 = arith.addi %mul3A_147, %add3A_148 : i32
      %dma_wait3A = arith.constant 0 : i32
      %dma_wait3A_150 = tpu.memref_slice %arg10[%add3A_149, %dma_wait3A] : memref<40x128xi32, #tpu.memory_space<vmem>> -> memref<1x128xi32, #tpu.memory_space<vmem>>
      %dma_wait3A_151 = tpu.memref_squeeze %dma_wait3A_150 : memref<1x128xi32, #tpu.memory_space<vmem>> -> memref<128xi32, #tpu.memory_space<vmem>>
      %dma_wait3A_152 = arith.constant 0 : i32
      %dma_wait3A_153 = arith.constant 0 : i32
      %dma_wait3A_154 = tpu.memref_slice %arg2[%dma_wait3A_152, %dma_wait3A_153] : memref<10000x128xf32, #tpu.memory_space<hbm>> -> memref<10000x128xf32, #tpu.memory_space<hbm>>
      tpu.wait_indirect_dma semaphore(%arg19 : memref<!tpu.dma_semaphore, #tpu.memory_space<semaphore_mem>>) src(%dma_wait3A_154 : memref<10000x128xf32, #tpu.memory_space<hbm>>) dst(%arg12 : memref<128x128xf32, #tpu.memory_space<vmem>>)
      %dma_start3A_155 = arith.constant 0 : i32
      %dma_start3A_156 = tpu.memref_slice %arg11[%add3A_149, %dma_start3A_155] : memref<40x128xi32, #tpu.memory_space<vmem>> -> memref<1x128xi32, #tpu.memory_space<vmem>>
      %dma_start3A_157 = tpu.memref_squeeze %dma_start3A_156 : memref<1x128xi32, #tpu.memory_space<vmem>> -> memref<128xi32, #tpu.memory_space<vmem>>
      %dma_start3A_158 = arith.constant 0 : i32
      %dma_start3A_159 = tpu.memref_slice %arg18[%dma_start3A_158] : memref<10240xf32, #tpu.memory_space<vmem_shared>> -> memref<10240xf32, #tpu.memory_space<vmem_shared>>
      tpu.enqueue_indirect_dma source(%arg14 : memref<128xf32, #tpu.memory_space<vmem>>) target(%dma_start3A_159 : memref<10240xf32, #tpu.memory_space<vmem_shared>>) offsets(%dma_start3A_157 : memref<128xi32, #tpu.memory_space<vmem>>) semaphore(%arg23 : memref<!tpu.dma_semaphore, #tpu.memory_space<semaphore_mem>>) {add = true}
      %dma_start3A_160 = arith.constant 0 : i32
      %dma_start3A_161 = tpu.memref_slice %arg11[%add3A_149, %dma_start3A_160] : memref<40x128xi32, #tpu.memory_space<vmem>> -> memref<1x128xi32, #tpu.memory_space<vmem>>
      %dma_start3A_162 = tpu.memref_squeeze %dma_start3A_161 : memref<1x128xi32, #tpu.memory_space<vmem>> -> memref<128xi32, #tpu.memory_space<vmem>>
      %dma_start3A_163 = arith.constant 0 : i32
      %dma_start3A_164 = arith.constant 0 : i32
      %dma_start3A_165 = tpu.memref_slice %arg17[%dma_start3A_163, %dma_start3A_164] : memref<10240x128xf32, #tpu.memory_space<vmem_shared>> -> memref<10240x128xf32, #tpu.memory_space<vmem_shared>>
      tpu.enqueue_indirect_dma source(%arg12 : memref<128x128xf32, #tpu.memory_space<vmem>>) target(%dma_start3A_165 : memref<10240x128xf32, #tpu.memory_space<vmem_shared>>) offsets(%dma_start3A_162 : memref<128xi32, #tpu.memory_space<vmem>>) semaphore(%arg21 : memref<!tpu.dma_semaphore, #tpu.memory_space<semaphore_mem>>) {add = true}
      %dma_wait3A_166 = arith.constant 0 : i32
      %dma_wait3A_167 = tpu.memref_slice %arg11[%add3A_149, %dma_wait3A_166] : memref<40x128xi32, #tpu.memory_space<vmem>> -> memref<1x128xi32, #tpu.memory_space<vmem>>
      %dma_wait3A_168 = tpu.memref_squeeze %dma_wait3A_167 : memref<1x128xi32, #tpu.memory_space<vmem>> -> memref<128xi32, #tpu.memory_space<vmem>>
      %dma_wait3A_169 = arith.constant 0 : i32
      %dma_wait3A_170 = arith.constant 0 : i32
      %dma_wait3A_171 = tpu.memref_slice %arg17[%dma_wait3A_169, %dma_wait3A_170] : memref<10240x128xf32, #tpu.memory_space<vmem_shared>> -> memref<10240x128xf32, #tpu.memory_space<vmem_shared>>
      tpu.wait_indirect_dma semaphore(%arg21 : memref<!tpu.dma_semaphore, #tpu.memory_space<semaphore_mem>>) src(%arg12 : memref<128x128xf32, #tpu.memory_space<vmem>>) dst(%dma_wait3A_171 : memref<10240x128xf32, #tpu.memory_space<vmem_shared>>)
      %lt3A = arith.constant 38 : i32
      %lt3A_172 = arith.cmpi slt, %add3A_149, %lt3A : i32
      %convert_element_type3A = arith.extui %lt3A_172 : i1 to i32
      %cond3A = arith.constant 0 : i32
      %cond3A_173 = arith.cmpi ne, %convert_element_type3A, %cond3A : i32
      scf.if %cond3A_173 {
        %add3A_206 = arith.constant 2 : i32
        %add3A_207 = arith.addi %add3A_149, %add3A_206 : i32
        %dma_start3A_208 = arith.constant 0 : i32
        %dma_start3A_209 = tpu.memref_slice %arg10[%add3A_207, %dma_start3A_208] : memref<40x128xi32, #tpu.memory_space<vmem>> -> memref<1x128xi32, #tpu.memory_space<vmem>>
        %dma_start3A_210 = tpu.memref_squeeze %dma_start3A_209 : memref<1x128xi32, #tpu.memory_space<vmem>> -> memref<128xi32, #tpu.memory_space<vmem>>
        %dma_start3A_211 = arith.constant 0 : i32
        %dma_start3A_212 = arith.constant 0 : i32
        %dma_start3A_213 = tpu.memref_slice %arg2[%dma_start3A_211, %dma_start3A_212] : memref<10000x128xf32, #tpu.memory_space<hbm>> -> memref<10000x128xf32, #tpu.memory_space<hbm>>
        tpu.enqueue_indirect_dma source(%dma_start3A_213 : memref<10000x128xf32, #tpu.memory_space<hbm>>) target(%arg12 : memref<128x128xf32, #tpu.memory_space<vmem>>) offsets(%dma_start3A_210 : memref<128xi32, #tpu.memory_space<vmem>>) semaphore(%arg19 : memref<!tpu.dma_semaphore, #tpu.memory_space<semaphore_mem>>)
      } else {
      }
      %mul3A_174 = arith.constant 2 : i32
      %mul3A_175 = arith.muli %add3A_145, %mul3A_174 : i32
      %add3A_176 = arith.constant 1 : i32
      %add3A_177 = arith.addi %mul3A_175, %add3A_176 : i32
      %dma_wait3A_178 = arith.constant 0 : i32
      %dma_wait3A_179 = tpu.memref_slice %arg10[%add3A_177, %dma_wait3A_178] : memref<40x128xi32, #tpu.memory_space<vmem>> -> memref<1x128xi32, #tpu.memory_space<vmem>>
      %dma_wait3A_180 = tpu.memref_squeeze %dma_wait3A_179 : memref<1x128xi32, #tpu.memory_space<vmem>> -> memref<128xi32, #tpu.memory_space<vmem>>
      %dma_wait3A_181 = arith.constant 0 : i32
      %dma_wait3A_182 = arith.constant 0 : i32
      %dma_wait3A_183 = tpu.memref_slice %arg2[%dma_wait3A_181, %dma_wait3A_182] : memref<10000x128xf32, #tpu.memory_space<hbm>> -> memref<10000x128xf32, #tpu.memory_space<hbm>>
      tpu.wait_indirect_dma semaphore(%arg20 : memref<!tpu.dma_semaphore, #tpu.memory_space<semaphore_mem>>) src(%dma_wait3A_183 : memref<10000x128xf32, #tpu.memory_space<hbm>>) dst(%arg13 : memref<128x128xf32, #tpu.memory_space<vmem>>)
      %dma_start3A_184 = arith.constant 0 : i32
      %dma_start3A_185 = tpu.memref_slice %arg11[%add3A_177, %dma_start3A_184] : memref<40x128xi32, #tpu.memory_space<vmem>> -> memref<1x128xi32, #tpu.memory_space<vmem>>
      %dma_start3A_186 = tpu.memref_squeeze %dma_start3A_185 : memref<1x128xi32, #tpu.memory_space<vmem>> -> memref<128xi32, #tpu.memory_space<vmem>>
      %dma_start3A_187 = arith.constant 0 : i32
      %dma_start3A_188 = tpu.memref_slice %arg18[%dma_start3A_187] : memref<10240xf32, #tpu.memory_space<vmem_shared>> -> memref<10240xf32, #tpu.memory_space<vmem_shared>>
      tpu.enqueue_indirect_dma source(%arg14 : memref<128xf32, #tpu.memory_space<vmem>>) target(%dma_start3A_188 : memref<10240xf32, #tpu.memory_space<vmem_shared>>) offsets(%dma_start3A_186 : memref<128xi32, #tpu.memory_space<vmem>>) semaphore(%arg23 : memref<!tpu.dma_semaphore, #tpu.memory_space<semaphore_mem>>) {add = true}
      %dma_start3A_189 = arith.constant 0 : i32
      %dma_start3A_190 = tpu.memref_slice %arg11[%add3A_177, %dma_start3A_189] : memref<40x128xi32, #tpu.memory_space<vmem>> -> memref<1x128xi32, #tpu.memory_space<vmem>>
      %dma_start3A_191 = tpu.memref_squeeze %dma_start3A_190 : memref<1x128xi32, #tpu.memory_space<vmem>> -> memref<128xi32, #tpu.memory_space<vmem>>
      %dma_start3A_192 = arith.constant 0 : i32
      %dma_start3A_193 = arith.constant 0 : i32
      %dma_start3A_194 = tpu.memref_slice %arg17[%dma_start3A_192, %dma_start3A_193] : memref<10240x128xf32, #tpu.memory_space<vmem_shared>> -> memref<10240x128xf32, #tpu.memory_space<vmem_shared>>
      tpu.enqueue_indirect_dma source(%arg13 : memref<128x128xf32, #tpu.memory_space<vmem>>) target(%dma_start3A_194 : memref<10240x128xf32, #tpu.memory_space<vmem_shared>>) offsets(%dma_start3A_191 : memref<128xi32, #tpu.memory_space<vmem>>) semaphore(%arg22 : memref<!tpu.dma_semaphore, #tpu.memory_space<semaphore_mem>>) {add = true}
      %dma_wait3A_195 = arith.constant 0 : i32
      %dma_wait3A_196 = tpu.memref_slice %arg11[%add3A_177, %dma_wait3A_195] : memref<40x128xi32, #tpu.memory_space<vmem>> -> memref<1x128xi32, #tpu.memory_space<vmem>>
      %dma_wait3A_197 = tpu.memref_squeeze %dma_wait3A_196 : memref<1x128xi32, #tpu.memory_space<vmem>> -> memref<128xi32, #tpu.memory_space<vmem>>
      %dma_wait3A_198 = arith.constant 0 : i32
      %dma_wait3A_199 = arith.constant 0 : i32
      %dma_wait3A_200 = tpu.memref_slice %arg17[%dma_wait3A_198, %dma_wait3A_199] : memref<10240x128xf32, #tpu.memory_space<vmem_shared>> -> memref<10240x128xf32, #tpu.memory_space<vmem_shared>>
      tpu.wait_indirect_dma semaphore(%arg22 : memref<!tpu.dma_semaphore, #tpu.memory_space<semaphore_mem>>) src(%arg13 : memref<128x128xf32, #tpu.memory_space<vmem>>) dst(%dma_wait3A_200 : memref<10240x128xf32, #tpu.memory_space<vmem_shared>>)
      %lt3A_201 = arith.constant 38 : i32
      %lt3A_202 = arith.cmpi slt, %add3A_177, %lt3A_201 : i32
      %convert_element_type3A_203 = arith.extui %lt3A_202 : i1 to i32
      %cond3A_204 = arith.constant 0 : i32
      %cond3A_205 = arith.cmpi ne, %convert_element_type3A_203, %cond3A_204 : i32
      scf.if %cond3A_205 {
        %add3A_206 = arith.constant 2 : i32
        %add3A_207 = arith.addi %add3A_177, %add3A_206 : i32
        %dma_start3A_208 = arith.constant 0 : i32
        %dma_start3A_209 = tpu.memref_slice %arg10[%add3A_207, %dma_start3A_208] : memref<40x128xi32, #tpu.memory_space<vmem>> -> memref<1x128xi32, #tpu.memory_space<vmem>>
        %dma_start3A_210 = tpu.memref_squeeze %dma_start3A_209 : memref<1x128xi32, #tpu.memory_space<vmem>> -> memref<128xi32, #tpu.memory_space<vmem>>
        %dma_start3A_211 = arith.constant 0 : i32
        %dma_start3A_212 = arith.constant 0 : i32
        %dma_start3A_213 = tpu.memref_slice %arg2[%dma_start3A_211, %dma_start3A_212] : memref<10000x128xf32, #tpu.memory_space<hbm>> -> memref<10000x128xf32, #tpu.memory_space<hbm>>
        tpu.enqueue_indirect_dma source(%dma_start3A_213 : memref<10000x128xf32, #tpu.memory_space<hbm>>) target(%arg13 : memref<128x128xf32, #tpu.memory_space<vmem>>) offsets(%dma_start3A_210 : memref<128xi32, #tpu.memory_space<vmem>>) semaphore(%arg20 : memref<!tpu.dma_semaphore, #tpu.memory_space<semaphore_mem>>)
      } else {
      }
    }
    %scan3A_123 = arith.constant 20 : i32
    %scan3A_124 = arith.constant 0 : i32
    %scan3A_125 = arith.constant 40 : i32
    %scan3A_126 = arith.addi %scan3A_124, %scan3A_125 : i32
    %scan3A_127 = arith.constant 1 : i32
    scf.for %scan3A_141 = %scan3A_124 to %scan3A_126 step %scan3A_127  : i32 {
      %mul3A_142 = arith.constant 1 : i32
      %mul3A_143 = arith.muli %scan3A_141, %mul3A_142 : i32
      %add3A_144 = arith.constant 0 : i32
      %add3A_145 = arith.addi %add3A_144, %mul3A_143 : i32
      %dma_wait3A = arith.constant 0 : i32
      %dma_wait3A_146 = arith.constant 0 : i32
      %dma_wait3A_147 = tpu.memref_slice %arg11[%dma_wait3A, %dma_wait3A_146] : memref<40x128xi32, #tpu.memory_space<vmem>> -> memref<1x128xi32, #tpu.memory_space<vmem>>
      %dma_wait3A_148 = tpu.memref_squeeze %dma_wait3A_147 : memref<1x128xi32, #tpu.memory_space<vmem>> -> memref<128xi32, #tpu.memory_space<vmem>>
      %dma_wait3A_149 = arith.constant 0 : i32
      %dma_wait3A_150 = tpu.memref_slice %arg18[%dma_wait3A_149] : memref<10240xf32, #tpu.memory_space<vmem_shared>> -> memref<10240xf32, #tpu.memory_space<vmem_shared>>
      tpu.wait_indirect_dma semaphore(%arg23 : memref<!tpu.dma_semaphore, #tpu.memory_space<semaphore_mem>>) src(%arg14 : memref<128xf32, #tpu.memory_space<vmem>>) dst(%dma_wait3A_150 : memref<10240xf32, #tpu.memory_space<vmem_shared>>)
    }
    %scan3A_128 = arith.constant 40 : i32
    %barrier3A_129 = arith.constant 0 : index
    tpu.barrier barrier_id(%barrier3A_129)
    %mul3A_130 = arith.constant 640 : i32
    %mul3A_131 = arith.muli %arg1, %mul3A_130 : i32
    %run_scoped3A_132 = arith.constant 2 : i32
    "tpu.region"() ({
      %run_scoped3A_141 = tpu.sem_alloc : memref<!tpu.dma_semaphore, #tpu.memory_space<semaphore_mem>>
      %dma_start3A_142 = arith.constant 0 : i32
      %dma_start3A_143 = tpu.memref_slice %arg8[%arg0, %run_scoped3A_132, %mul3A_131, %dma_start3A_142] : memref<2x3x10240x128xf32, #tpu.memory_space<hbm>> -> memref<1x1x640x128xf32, #tpu.memory_space<hbm>>
      %dma_start3A_144 = tpu.memref_squeeze %dma_start3A_143 : memref<1x1x640x128xf32, #tpu.memory_space<hbm>> -> memref<640x128xf32, #tpu.memory_space<hbm>>
      %dma_start3A_145 = arith.constant 0 : i32
      %dma_start3A_146 = tpu.memref_slice %arg17[%mul3A_131, %dma_start3A_145] : memref<10240x128xf32, #tpu.memory_space<vmem_shared>> -> memref<640x128xf32, #tpu.memory_space<vmem_shared>>
      tpu.enqueue_dma source(%dma_start3A_146 : memref<640x128xf32, #tpu.memory_space<vmem_shared>>) target(%dma_start3A_144 : memref<640x128xf32, #tpu.memory_space<hbm>>) target_semaphore(%run_scoped3A_141 : memref<!tpu.dma_semaphore, #tpu.memory_space<semaphore_mem>>)
      %dma_wait3A = arith.constant 0 : i32
      %dma_wait3A_147 = tpu.memref_slice %arg8[%arg0, %run_scoped3A_132, %mul3A_131, %dma_wait3A] : memref<2x3x10240x128xf32, #tpu.memory_space<hbm>> -> memref<1x1x640x128xf32, #tpu.memory_space<hbm>>
      %dma_wait3A_148 = tpu.memref_squeeze %dma_wait3A_147 : memref<1x1x640x128xf32, #tpu.memory_space<hbm>> -> memref<640x128xf32, #tpu.memory_space<hbm>>
      %dma_wait3A_149 = arith.constant 0 : i32
      %dma_wait3A_150 = tpu.memref_slice %arg17[%mul3A_131, %dma_wait3A_149] : memref<10240x128xf32, #tpu.memory_space<vmem_shared>> -> memref<640x128xf32, #tpu.memory_space<vmem_shared>>
      tpu.wait_dma2 semaphore(%run_scoped3A_141 : memref<!tpu.dma_semaphore, #tpu.memory_space<semaphore_mem>>) src(%dma_wait3A_150 : memref<640x128xf32, #tpu.memory_space<vmem_shared>>) dst(%dma_wait3A_148 : memref<640x128xf32, #tpu.memory_space<hbm>>)
      tpu.yield
    }) : () -> ()
    %mul3A_133 = arith.constant 3 : i32
    %mul3A_134 = arith.muli %arg0, %mul3A_133 : i32
    %add3A_135 = arith.constant 2 : i32
    %add3A_136 = arith.addi %mul3A_134, %add3A_135 : i32
    %mul3A_137 = arith.constant 10240 : i32
    %mul3A_138 = arith.muli %add3A_136, %mul3A_137 : i32
    %add3A_139 = arith.addi %mul3A_138, %mul3A_131 : i32
    "tpu.region"() ({
      %run_scoped3A_141 = tpu.sem_alloc : memref<!tpu.dma_semaphore, #tpu.memory_space<semaphore_mem>>
      %dma_start3A_142 = tpu.memref_slice %arg9[%add3A_139] : memref<61440xf32, #tpu.memory_space<hbm>> -> memref<640xf32, #tpu.memory_space<hbm>>
      %dma_start3A_143 = tpu.memref_slice %arg18[%mul3A_131] : memref<10240xf32, #tpu.memory_space<vmem_shared>> -> memref<640xf32, #tpu.memory_space<vmem_shared>>
      tpu.enqueue_dma source(%dma_start3A_143 : memref<640xf32, #tpu.memory_space<vmem_shared>>) target(%dma_start3A_142 : memref<640xf32, #tpu.memory_space<hbm>>) target_semaphore(%run_scoped3A_141 : memref<!tpu.dma_semaphore, #tpu.memory_space<semaphore_mem>>)
      %dma_wait3A = tpu.memref_slice %arg9[%add3A_139] : memref<61440xf32, #tpu.memory_space<hbm>> -> memref<640xf32, #tpu.memory_space<hbm>>
      %dma_wait3A_144 = tpu.memref_slice %arg18[%mul3A_131] : memref<10240xf32, #tpu.memory_space<vmem_shared>> -> memref<640xf32, #tpu.memory_space<vmem_shared>>
      tpu.wait_dma2 semaphore(%run_scoped3A_141 : memref<!tpu.dma_semaphore, #tpu.memory_space<semaphore_mem>>) src(%dma_wait3A_144 : memref<640xf32, #tpu.memory_space<vmem_shared>>) dst(%dma_wait3A : memref<640xf32, #tpu.memory_space<hbm>>)
      tpu.yield
    }) : () -> ()
    %barrier3A_140 = arith.constant 0 : index
    tpu.barrier barrier_id(%barrier3A_140)
    return
  }
}

module attributes {stable_mosaic.version = 14 : i64} {
  func.func @_tc_body(%arg0: i32, %arg1: memref<2x3x2048x128xf32, #tpu.memory_space<vmem>>, %arg2: memref<2x3x16x128xf32, #tpu.memory_space<vmem>>, %arg3: memref<3x128x128xf32, #tpu.memory_space<vmem>>, %arg4: memref<2048x128xf32, #tpu.memory_space<vmem>>) attributes {dimension_semantics = [#tpu.dimension_semantics<arbitrary>], iteration_bounds = array<i64: 5>, scalar_prefetch = 0 : i64, scratch_operands = 0 : i64, tpu.core_type = #tpu.core_type<tc>, window_params = [{transform_indices = @transform_0, window_bounds = array<i64: 2, 3, 2048, 128>}, {transform_indices = @transform_1, window_bounds = array<i64: 2, 3, 16, 128>}, {pipeline_mode = #tpu.pipeline_mode<synchronous>, transform_indices = @transform_2, window_bounds = array<i64: 3, 128, 128>}, {transform_indices = @transform_3, window_bounds = array<i64: 2048, 128>}]} {
    %broadcast_in_dim3A = arith.constant 0.000000e+00 : f32
    %broadcast_in_dim3A_0 = vector.broadcast %broadcast_in_dim3A : f32 to vector<2048x128xf32>
    %get3A = arith.constant 0 : index
    %get3A_1 = arith.constant 0 : index
    %get3A_2 = arith.constant 0 : index
    %get3A_3 = arith.constant 0 : index
    %get3A_4 = vector.load %arg1[%get3A, %get3A_1, %get3A_2, %get3A_3] : memref<2x3x2048x128xf32, #tpu.memory_space<vmem>>, vector<1x1x2048x128xf32>
    %get3A_5 = vector.shape_cast %get3A_4 : vector<1x1x2048x128xf32> to vector<2048x128xf32>
    %get3A_6 = arith.constant 1 : index
    %get3A_7 = arith.constant 0 : index
    %get3A_8 = arith.constant 0 : index
    %get3A_9 = arith.constant 0 : index
    %get3A_10 = vector.load %arg1[%get3A_6, %get3A_7, %get3A_8, %get3A_9] : memref<2x3x2048x128xf32, #tpu.memory_space<vmem>>, vector<1x1x2048x128xf32>
    %get3A_11 = vector.shape_cast %get3A_10 : vector<1x1x2048x128xf32> to vector<2048x128xf32>
    %add3A = arith.addf %get3A_5, %get3A_11 : vector<2048x128xf32>
    %get3A_12 = arith.constant 0 : index
    %get3A_13 = arith.constant 0 : index
    %get3A_14 = arith.constant 0 : index
    %get3A_15 = arith.constant 0 : index
    %get3A_16 = vector.load %arg2[%get3A_12, %get3A_13, %get3A_14, %get3A_15] : memref<2x3x16x128xf32, #tpu.memory_space<vmem>>, vector<1x1x16x128xf32>
    %get3A_17 = vector.shape_cast %get3A_16 : vector<1x1x16x128xf32> to vector<16x128xf32>
    %get3A_18 = arith.constant 1 : index
    %get3A_19 = arith.constant 0 : index
    %get3A_20 = arith.constant 0 : index
    %get3A_21 = arith.constant 0 : index
    %get3A_22 = vector.load %arg2[%get3A_18, %get3A_19, %get3A_20, %get3A_21] : memref<2x3x16x128xf32, #tpu.memory_space<vmem>>, vector<1x1x16x128xf32>
    %get3A_23 = vector.shape_cast %get3A_22 : vector<1x1x16x128xf32> to vector<16x128xf32>
    %add3A_24 = arith.addf %get3A_17, %get3A_23 : vector<16x128xf32>
    %max3A = arith.constant 1.000000e+00 : f32
    %max3A_25 = vector.broadcast %max3A : f32 to vector<16x128xf32>
    %max3A_26 = arith.maximumf %add3A_24, %max3A_25 : vector<16x128xf32>
    %transpose3A = tpu.transpose %max3A_26, [1, 0] : vector<16x128xf32> -> vector<128x16xf32>
    %slice3A = vector.extract_strided_slice %add3A {offsets = [0, 0], sizes = [128, 128], strides = [1, 1]} : vector<2048x128xf32> to vector<128x128xf32>
    %slice3A_27 = vector.extract_strided_slice %transpose3A {offsets = [0, 0], sizes = [128, 1], strides = [1, 1]} : vector<128x16xf32> to vector<128x1xf32>
    %div3A = vector.broadcast %slice3A_27 : vector<128x1xf32> to vector<128x128xf32>
    %div3A_28 = arith.divf %slice3A, %div3A : vector<128x128xf32>
    %slice3A_29 = vector.extract_strided_slice %add3A {offsets = [128, 0], sizes = [128, 128], strides = [1, 1]} : vector<2048x128xf32> to vector<128x128xf32>
    %slice3A_30 = vector.extract_strided_slice %transpose3A {offsets = [0, 1], sizes = [128, 1], strides = [1, 1]} : vector<128x16xf32> to vector<128x1xf32>
    %div3A_31 = vector.broadcast %slice3A_30 : vector<128x1xf32> to vector<128x128xf32>
    %div3A_32 = arith.divf %slice3A_29, %div3A_31 : vector<128x128xf32>
    %slice3A_33 = vector.extract_strided_slice %add3A {offsets = [256, 0], sizes = [128, 128], strides = [1, 1]} : vector<2048x128xf32> to vector<128x128xf32>
    %slice3A_34 = vector.extract_strided_slice %transpose3A {offsets = [0, 2], sizes = [128, 1], strides = [1, 1]} : vector<128x16xf32> to vector<128x1xf32>
    %div3A_35 = vector.broadcast %slice3A_34 : vector<128x1xf32> to vector<128x128xf32>
    %div3A_36 = arith.divf %slice3A_33, %div3A_35 : vector<128x128xf32>
    %slice3A_37 = vector.extract_strided_slice %add3A {offsets = [384, 0], sizes = [128, 128], strides = [1, 1]} : vector<2048x128xf32> to vector<128x128xf32>
    %slice3A_38 = vector.extract_strided_slice %transpose3A {offsets = [0, 3], sizes = [128, 1], strides = [1, 1]} : vector<128x16xf32> to vector<128x1xf32>
    %div3A_39 = vector.broadcast %slice3A_38 : vector<128x1xf32> to vector<128x128xf32>
    %div3A_40 = arith.divf %slice3A_37, %div3A_39 : vector<128x128xf32>
    %slice3A_41 = vector.extract_strided_slice %add3A {offsets = [512, 0], sizes = [128, 128], strides = [1, 1]} : vector<2048x128xf32> to vector<128x128xf32>
    %slice3A_42 = vector.extract_strided_slice %transpose3A {offsets = [0, 4], sizes = [128, 1], strides = [1, 1]} : vector<128x16xf32> to vector<128x1xf32>
    %div3A_43 = vector.broadcast %slice3A_42 : vector<128x1xf32> to vector<128x128xf32>
    %div3A_44 = arith.divf %slice3A_41, %div3A_43 : vector<128x128xf32>
    %slice3A_45 = vector.extract_strided_slice %add3A {offsets = [640, 0], sizes = [128, 128], strides = [1, 1]} : vector<2048x128xf32> to vector<128x128xf32>
    %slice3A_46 = vector.extract_strided_slice %transpose3A {offsets = [0, 5], sizes = [128, 1], strides = [1, 1]} : vector<128x16xf32> to vector<128x1xf32>
    %div3A_47 = vector.broadcast %slice3A_46 : vector<128x1xf32> to vector<128x128xf32>
    %div3A_48 = arith.divf %slice3A_45, %div3A_47 : vector<128x128xf32>
    %slice3A_49 = vector.extract_strided_slice %add3A {offsets = [768, 0], sizes = [128, 128], strides = [1, 1]} : vector<2048x128xf32> to vector<128x128xf32>
    %slice3A_50 = vector.extract_strided_slice %transpose3A {offsets = [0, 6], sizes = [128, 1], strides = [1, 1]} : vector<128x16xf32> to vector<128x1xf32>
    %div3A_51 = vector.broadcast %slice3A_50 : vector<128x1xf32> to vector<128x128xf32>
    %div3A_52 = arith.divf %slice3A_49, %div3A_51 : vector<128x128xf32>
    %slice3A_53 = vector.extract_strided_slice %add3A {offsets = [896, 0], sizes = [128, 128], strides = [1, 1]} : vector<2048x128xf32> to vector<128x128xf32>
    %slice3A_54 = vector.extract_strided_slice %transpose3A {offsets = [0, 7], sizes = [128, 1], strides = [1, 1]} : vector<128x16xf32> to vector<128x1xf32>
    %div3A_55 = vector.broadcast %slice3A_54 : vector<128x1xf32> to vector<128x128xf32>
    %div3A_56 = arith.divf %slice3A_53, %div3A_55 : vector<128x128xf32>
    %slice3A_57 = vector.extract_strided_slice %add3A {offsets = [1024, 0], sizes = [128, 128], strides = [1, 1]} : vector<2048x128xf32> to vector<128x128xf32>
    %slice3A_58 = vector.extract_strided_slice %transpose3A {offsets = [0, 8], sizes = [128, 1], strides = [1, 1]} : vector<128x16xf32> to vector<128x1xf32>
    %div3A_59 = vector.broadcast %slice3A_58 : vector<128x1xf32> to vector<128x128xf32>
    %div3A_60 = arith.divf %slice3A_57, %div3A_59 : vector<128x128xf32>
    %slice3A_61 = vector.extract_strided_slice %add3A {offsets = [1152, 0], sizes = [128, 128], strides = [1, 1]} : vector<2048x128xf32> to vector<128x128xf32>
    %slice3A_62 = vector.extract_strided_slice %transpose3A {offsets = [0, 9], sizes = [128, 1], strides = [1, 1]} : vector<128x16xf32> to vector<128x1xf32>
    %div3A_63 = vector.broadcast %slice3A_62 : vector<128x1xf32> to vector<128x128xf32>
    %div3A_64 = arith.divf %slice3A_61, %div3A_63 : vector<128x128xf32>
    %slice3A_65 = vector.extract_strided_slice %add3A {offsets = [1280, 0], sizes = [128, 128], strides = [1, 1]} : vector<2048x128xf32> to vector<128x128xf32>
    %slice3A_66 = vector.extract_strided_slice %transpose3A {offsets = [0, 10], sizes = [128, 1], strides = [1, 1]} : vector<128x16xf32> to vector<128x1xf32>
    %div3A_67 = vector.broadcast %slice3A_66 : vector<128x1xf32> to vector<128x128xf32>
    %div3A_68 = arith.divf %slice3A_65, %div3A_67 : vector<128x128xf32>
    %slice3A_69 = vector.extract_strided_slice %add3A {offsets = [1408, 0], sizes = [128, 128], strides = [1, 1]} : vector<2048x128xf32> to vector<128x128xf32>
    %slice3A_70 = vector.extract_strided_slice %transpose3A {offsets = [0, 11], sizes = [128, 1], strides = [1, 1]} : vector<128x16xf32> to vector<128x1xf32>
    %div3A_71 = vector.broadcast %slice3A_70 : vector<128x1xf32> to vector<128x128xf32>
    %div3A_72 = arith.divf %slice3A_69, %div3A_71 : vector<128x128xf32>
    %slice3A_73 = vector.extract_strided_slice %add3A {offsets = [1536, 0], sizes = [128, 128], strides = [1, 1]} : vector<2048x128xf32> to vector<128x128xf32>
    %slice3A_74 = vector.extract_strided_slice %transpose3A {offsets = [0, 12], sizes = [128, 1], strides = [1, 1]} : vector<128x16xf32> to vector<128x1xf32>
    %div3A_75 = vector.broadcast %slice3A_74 : vector<128x1xf32> to vector<128x128xf32>
    %div3A_76 = arith.divf %slice3A_73, %div3A_75 : vector<128x128xf32>
    %slice3A_77 = vector.extract_strided_slice %add3A {offsets = [1664, 0], sizes = [128, 128], strides = [1, 1]} : vector<2048x128xf32> to vector<128x128xf32>
    %slice3A_78 = vector.extract_strided_slice %transpose3A {offsets = [0, 13], sizes = [128, 1], strides = [1, 1]} : vector<128x16xf32> to vector<128x1xf32>
    %div3A_79 = vector.broadcast %slice3A_78 : vector<128x1xf32> to vector<128x128xf32>
    %div3A_80 = arith.divf %slice3A_77, %div3A_79 : vector<128x128xf32>
    %slice3A_81 = vector.extract_strided_slice %add3A {offsets = [1792, 0], sizes = [128, 128], strides = [1, 1]} : vector<2048x128xf32> to vector<128x128xf32>
    %slice3A_82 = vector.extract_strided_slice %transpose3A {offsets = [0, 14], sizes = [128, 1], strides = [1, 1]} : vector<128x16xf32> to vector<128x1xf32>
    %div3A_83 = vector.broadcast %slice3A_82 : vector<128x1xf32> to vector<128x128xf32>
    %div3A_84 = arith.divf %slice3A_81, %div3A_83 : vector<128x128xf32>
    %slice3A_85 = vector.extract_strided_slice %add3A {offsets = [1920, 0], sizes = [128, 128], strides = [1, 1]} : vector<2048x128xf32> to vector<128x128xf32>
    %slice3A_86 = vector.extract_strided_slice %transpose3A {offsets = [0, 15], sizes = [128, 1], strides = [1, 1]} : vector<128x16xf32> to vector<128x1xf32>
    %div3A_87 = vector.broadcast %slice3A_86 : vector<128x1xf32> to vector<128x128xf32>
    %div3A_88 = arith.divf %slice3A_85, %div3A_87 : vector<128x128xf32>
    %concatenate3A = tpu.concatenate %div3A_28, %div3A_32, %div3A_36, %div3A_40, %div3A_44, %div3A_48, %div3A_52, %div3A_56, %div3A_60, %div3A_64, %div3A_68, %div3A_72, %div3A_76, %div3A_80, %div3A_84, %div3A_88 in 0 : vector<128x128xf32>, vector<128x128xf32>, vector<128x128xf32>, vector<128x128xf32>, vector<128x128xf32>, vector<128x128xf32>, vector<128x128xf32>, vector<128x128xf32>, vector<128x128xf32>, vector<128x128xf32>, vector<128x128xf32>, vector<128x128xf32>, vector<128x128xf32>, vector<128x128xf32>, vector<128x128xf32>, vector<128x128xf32> -> vector<2048x128xf32>
    %get3A_89 = arith.constant 0 : index
    %get3A_90 = arith.constant 0 : index
    %get3A_91 = arith.constant 0 : index
    %get3A_92 = vector.load %arg3[%get3A_89, %get3A_90, %get3A_91] : memref<3x128x128xf32, #tpu.memory_space<vmem>>, vector<1x128x128xf32>
    %get3A_93 = vector.shape_cast %get3A_92 : vector<1x128x128xf32> to vector<128x128xf32>
    %dot_general3A = arith.constant dense<0.000000e+00> : vector<2048x128xf32>
    %dot_general3A_94 = tpu.matmul %concatenate3A, %get3A_93, %dot_general3A {dimension_numbers = #tpu.dot_dimension_numbers<[1], [0], [0], [1], [0, 0, 1, 1], [], []>, precision = #tpu.contract_precision<fp32>, transpose_lhs_hint = false} : vector<2048x128xf32>, vector<128x128xf32>, vector<2048x128xf32> -> vector<2048x128xf32>
    %add3A_95 = arith.addf %broadcast_in_dim3A_0, %dot_general3A_94 : vector<2048x128xf32>
    %get3A_96 = arith.constant 0 : index
    %get3A_97 = arith.constant 1 : index
    %get3A_98 = arith.constant 0 : index
    %get3A_99 = arith.constant 0 : index
    %get3A_100 = vector.load %arg1[%get3A_96, %get3A_97, %get3A_98, %get3A_99] : memref<2x3x2048x128xf32, #tpu.memory_space<vmem>>, vector<1x1x2048x128xf32>
    %get3A_101 = vector.shape_cast %get3A_100 : vector<1x1x2048x128xf32> to vector<2048x128xf32>
    %get3A_102 = arith.constant 1 : index
    %get3A_103 = arith.constant 1 : index
    %get3A_104 = arith.constant 0 : index
    %get3A_105 = arith.constant 0 : index
    %get3A_106 = vector.load %arg1[%get3A_102, %get3A_103, %get3A_104, %get3A_105] : memref<2x3x2048x128xf32, #tpu.memory_space<vmem>>, vector<1x1x2048x128xf32>
    %get3A_107 = vector.shape_cast %get3A_106 : vector<1x1x2048x128xf32> to vector<2048x128xf32>
    %add3A_108 = arith.addf %get3A_101, %get3A_107 : vector<2048x128xf32>
    %get3A_109 = arith.constant 0 : index
    %get3A_110 = arith.constant 1 : index
    %get3A_111 = arith.constant 0 : index
    %get3A_112 = arith.constant 0 : index
    %get3A_113 = vector.load %arg2[%get3A_109, %get3A_110, %get3A_111, %get3A_112] : memref<2x3x16x128xf32, #tpu.memory_space<vmem>>, vector<1x1x16x128xf32>
    %get3A_114 = vector.shape_cast %get3A_113 : vector<1x1x16x128xf32> to vector<16x128xf32>
    %get3A_115 = arith.constant 1 : index
    %get3A_116 = arith.constant 1 : index
    %get3A_117 = arith.constant 0 : index
    %get3A_118 = arith.constant 0 : index
    %get3A_119 = vector.load %arg2[%get3A_115, %get3A_116, %get3A_117, %get3A_118] : memref<2x3x16x128xf32, #tpu.memory_space<vmem>>, vector<1x1x16x128xf32>
    %get3A_120 = vector.shape_cast %get3A_119 : vector<1x1x16x128xf32> to vector<16x128xf32>
    %add3A_121 = arith.addf %get3A_114, %get3A_120 : vector<16x128xf32>
    %max3A_122 = arith.constant 1.000000e+00 : f32
    %max3A_123 = vector.broadcast %max3A_122 : f32 to vector<16x128xf32>
    %max3A_124 = arith.maximumf %add3A_121, %max3A_123 : vector<16x128xf32>
    %transpose3A_125 = tpu.transpose %max3A_124, [1, 0] : vector<16x128xf32> -> vector<128x16xf32>
    %slice3A_126 = vector.extract_strided_slice %add3A_108 {offsets = [0, 0], sizes = [128, 128], strides = [1, 1]} : vector<2048x128xf32> to vector<128x128xf32>
    %slice3A_127 = vector.extract_strided_slice %transpose3A_125 {offsets = [0, 0], sizes = [128, 1], strides = [1, 1]} : vector<128x16xf32> to vector<128x1xf32>
    %div3A_128 = vector.broadcast %slice3A_127 : vector<128x1xf32> to vector<128x128xf32>
    %div3A_129 = arith.divf %slice3A_126, %div3A_128 : vector<128x128xf32>
    %slice3A_130 = vector.extract_strided_slice %add3A_108 {offsets = [128, 0], sizes = [128, 128], strides = [1, 1]} : vector<2048x128xf32> to vector<128x128xf32>
    %slice3A_131 = vector.extract_strided_slice %transpose3A_125 {offsets = [0, 1], sizes = [128, 1], strides = [1, 1]} : vector<128x16xf32> to vector<128x1xf32>
    %div3A_132 = vector.broadcast %slice3A_131 : vector<128x1xf32> to vector<128x128xf32>
    %div3A_133 = arith.divf %slice3A_130, %div3A_132 : vector<128x128xf32>
    %slice3A_134 = vector.extract_strided_slice %add3A_108 {offsets = [256, 0], sizes = [128, 128], strides = [1, 1]} : vector<2048x128xf32> to vector<128x128xf32>
    %slice3A_135 = vector.extract_strided_slice %transpose3A_125 {offsets = [0, 2], sizes = [128, 1], strides = [1, 1]} : vector<128x16xf32> to vector<128x1xf32>
    %div3A_136 = vector.broadcast %slice3A_135 : vector<128x1xf32> to vector<128x128xf32>
    %div3A_137 = arith.divf %slice3A_134, %div3A_136 : vector<128x128xf32>
    %slice3A_138 = vector.extract_strided_slice %add3A_108 {offsets = [384, 0], sizes = [128, 128], strides = [1, 1]} : vector<2048x128xf32> to vector<128x128xf32>
    %slice3A_139 = vector.extract_strided_slice %transpose3A_125 {offsets = [0, 3], sizes = [128, 1], strides = [1, 1]} : vector<128x16xf32> to vector<128x1xf32>
    %div3A_140 = vector.broadcast %slice3A_139 : vector<128x1xf32> to vector<128x128xf32>
    %div3A_141 = arith.divf %slice3A_138, %div3A_140 : vector<128x128xf32>
    %slice3A_142 = vector.extract_strided_slice %add3A_108 {offsets = [512, 0], sizes = [128, 128], strides = [1, 1]} : vector<2048x128xf32> to vector<128x128xf32>
    %slice3A_143 = vector.extract_strided_slice %transpose3A_125 {offsets = [0, 4], sizes = [128, 1], strides = [1, 1]} : vector<128x16xf32> to vector<128x1xf32>
    %div3A_144 = vector.broadcast %slice3A_143 : vector<128x1xf32> to vector<128x128xf32>
    %div3A_145 = arith.divf %slice3A_142, %div3A_144 : vector<128x128xf32>
    %slice3A_146 = vector.extract_strided_slice %add3A_108 {offsets = [640, 0], sizes = [128, 128], strides = [1, 1]} : vector<2048x128xf32> to vector<128x128xf32>
    %slice3A_147 = vector.extract_strided_slice %transpose3A_125 {offsets = [0, 5], sizes = [128, 1], strides = [1, 1]} : vector<128x16xf32> to vector<128x1xf32>
    %div3A_148 = vector.broadcast %slice3A_147 : vector<128x1xf32> to vector<128x128xf32>
    %div3A_149 = arith.divf %slice3A_146, %div3A_148 : vector<128x128xf32>
    %slice3A_150 = vector.extract_strided_slice %add3A_108 {offsets = [768, 0], sizes = [128, 128], strides = [1, 1]} : vector<2048x128xf32> to vector<128x128xf32>
    %slice3A_151 = vector.extract_strided_slice %transpose3A_125 {offsets = [0, 6], sizes = [128, 1], strides = [1, 1]} : vector<128x16xf32> to vector<128x1xf32>
    %div3A_152 = vector.broadcast %slice3A_151 : vector<128x1xf32> to vector<128x128xf32>
    %div3A_153 = arith.divf %slice3A_150, %div3A_152 : vector<128x128xf32>
    %slice3A_154 = vector.extract_strided_slice %add3A_108 {offsets = [896, 0], sizes = [128, 128], strides = [1, 1]} : vector<2048x128xf32> to vector<128x128xf32>
    %slice3A_155 = vector.extract_strided_slice %transpose3A_125 {offsets = [0, 7], sizes = [128, 1], strides = [1, 1]} : vector<128x16xf32> to vector<128x1xf32>
    %div3A_156 = vector.broadcast %slice3A_155 : vector<128x1xf32> to vector<128x128xf32>
    %div3A_157 = arith.divf %slice3A_154, %div3A_156 : vector<128x128xf32>
    %slice3A_158 = vector.extract_strided_slice %add3A_108 {offsets = [1024, 0], sizes = [128, 128], strides = [1, 1]} : vector<2048x128xf32> to vector<128x128xf32>
    %slice3A_159 = vector.extract_strided_slice %transpose3A_125 {offsets = [0, 8], sizes = [128, 1], strides = [1, 1]} : vector<128x16xf32> to vector<128x1xf32>
    %div3A_160 = vector.broadcast %slice3A_159 : vector<128x1xf32> to vector<128x128xf32>
    %div3A_161 = arith.divf %slice3A_158, %div3A_160 : vector<128x128xf32>
    %slice3A_162 = vector.extract_strided_slice %add3A_108 {offsets = [1152, 0], sizes = [128, 128], strides = [1, 1]} : vector<2048x128xf32> to vector<128x128xf32>
    %slice3A_163 = vector.extract_strided_slice %transpose3A_125 {offsets = [0, 9], sizes = [128, 1], strides = [1, 1]} : vector<128x16xf32> to vector<128x1xf32>
    %div3A_164 = vector.broadcast %slice3A_163 : vector<128x1xf32> to vector<128x128xf32>
    %div3A_165 = arith.divf %slice3A_162, %div3A_164 : vector<128x128xf32>
    %slice3A_166 = vector.extract_strided_slice %add3A_108 {offsets = [1280, 0], sizes = [128, 128], strides = [1, 1]} : vector<2048x128xf32> to vector<128x128xf32>
    %slice3A_167 = vector.extract_strided_slice %transpose3A_125 {offsets = [0, 10], sizes = [128, 1], strides = [1, 1]} : vector<128x16xf32> to vector<128x1xf32>
    %div3A_168 = vector.broadcast %slice3A_167 : vector<128x1xf32> to vector<128x128xf32>
    %div3A_169 = arith.divf %slice3A_166, %div3A_168 : vector<128x128xf32>
    %slice3A_170 = vector.extract_strided_slice %add3A_108 {offsets = [1408, 0], sizes = [128, 128], strides = [1, 1]} : vector<2048x128xf32> to vector<128x128xf32>
    %slice3A_171 = vector.extract_strided_slice %transpose3A_125 {offsets = [0, 11], sizes = [128, 1], strides = [1, 1]} : vector<128x16xf32> to vector<128x1xf32>
    %div3A_172 = vector.broadcast %slice3A_171 : vector<128x1xf32> to vector<128x128xf32>
    %div3A_173 = arith.divf %slice3A_170, %div3A_172 : vector<128x128xf32>
    %slice3A_174 = vector.extract_strided_slice %add3A_108 {offsets = [1536, 0], sizes = [128, 128], strides = [1, 1]} : vector<2048x128xf32> to vector<128x128xf32>
    %slice3A_175 = vector.extract_strided_slice %transpose3A_125 {offsets = [0, 12], sizes = [128, 1], strides = [1, 1]} : vector<128x16xf32> to vector<128x1xf32>
    %div3A_176 = vector.broadcast %slice3A_175 : vector<128x1xf32> to vector<128x128xf32>
    %div3A_177 = arith.divf %slice3A_174, %div3A_176 : vector<128x128xf32>
    %slice3A_178 = vector.extract_strided_slice %add3A_108 {offsets = [1664, 0], sizes = [128, 128], strides = [1, 1]} : vector<2048x128xf32> to vector<128x128xf32>
    %slice3A_179 = vector.extract_strided_slice %transpose3A_125 {offsets = [0, 13], sizes = [128, 1], strides = [1, 1]} : vector<128x16xf32> to vector<128x1xf32>
    %div3A_180 = vector.broadcast %slice3A_179 : vector<128x1xf32> to vector<128x128xf32>
    %div3A_181 = arith.divf %slice3A_178, %div3A_180 : vector<128x128xf32>
    %slice3A_182 = vector.extract_strided_slice %add3A_108 {offsets = [1792, 0], sizes = [128, 128], strides = [1, 1]} : vector<2048x128xf32> to vector<128x128xf32>
    %slice3A_183 = vector.extract_strided_slice %transpose3A_125 {offsets = [0, 14], sizes = [128, 1], strides = [1, 1]} : vector<128x16xf32> to vector<128x1xf32>
    %div3A_184 = vector.broadcast %slice3A_183 : vector<128x1xf32> to vector<128x128xf32>
    %div3A_185 = arith.divf %slice3A_182, %div3A_184 : vector<128x128xf32>
    %slice3A_186 = vector.extract_strided_slice %add3A_108 {offsets = [1920, 0], sizes = [128, 128], strides = [1, 1]} : vector<2048x128xf32> to vector<128x128xf32>
    %slice3A_187 = vector.extract_strided_slice %transpose3A_125 {offsets = [0, 15], sizes = [128, 1], strides = [1, 1]} : vector<128x16xf32> to vector<128x1xf32>
    %div3A_188 = vector.broadcast %slice3A_187 : vector<128x1xf32> to vector<128x128xf32>
    %div3A_189 = arith.divf %slice3A_186, %div3A_188 : vector<128x128xf32>
    %concatenate3A_190 = tpu.concatenate %div3A_129, %div3A_133, %div3A_137, %div3A_141, %div3A_145, %div3A_149, %div3A_153, %div3A_157, %div3A_161, %div3A_165, %div3A_169, %div3A_173, %div3A_177, %div3A_181, %div3A_185, %div3A_189 in 0 : vector<128x128xf32>, vector<128x128xf32>, vector<128x128xf32>, vector<128x128xf32>, vector<128x128xf32>, vector<128x128xf32>, vector<128x128xf32>, vector<128x128xf32>, vector<128x128xf32>, vector<128x128xf32>, vector<128x128xf32>, vector<128x128xf32>, vector<128x128xf32>, vector<128x128xf32>, vector<128x128xf32>, vector<128x128xf32> -> vector<2048x128xf32>
    %get3A_191 = arith.constant 1 : index
    %get3A_192 = arith.constant 0 : index
    %get3A_193 = arith.constant 0 : index
    %get3A_194 = vector.load %arg3[%get3A_191, %get3A_192, %get3A_193] : memref<3x128x128xf32, #tpu.memory_space<vmem>>, vector<1x128x128xf32>
    %get3A_195 = vector.shape_cast %get3A_194 : vector<1x128x128xf32> to vector<128x128xf32>
    %dot_general3A_196 = arith.constant dense<0.000000e+00> : vector<2048x128xf32>
    %dot_general3A_197 = tpu.matmul %concatenate3A_190, %get3A_195, %dot_general3A_196 {dimension_numbers = #tpu.dot_dimension_numbers<[1], [0], [0], [1], [0, 0, 1, 1], [], []>, precision = #tpu.contract_precision<fp32>, transpose_lhs_hint = false} : vector<2048x128xf32>, vector<128x128xf32>, vector<2048x128xf32> -> vector<2048x128xf32>
    %add3A_198 = arith.addf %add3A_95, %dot_general3A_197 : vector<2048x128xf32>
    %get3A_199 = arith.constant 0 : index
    %get3A_200 = arith.constant 2 : index
    %get3A_201 = arith.constant 0 : index
    %get3A_202 = arith.constant 0 : index
    %get3A_203 = vector.load %arg1[%get3A_199, %get3A_200, %get3A_201, %get3A_202] : memref<2x3x2048x128xf32, #tpu.memory_space<vmem>>, vector<1x1x2048x128xf32>
    %get3A_204 = vector.shape_cast %get3A_203 : vector<1x1x2048x128xf32> to vector<2048x128xf32>
    %get3A_205 = arith.constant 1 : index
    %get3A_206 = arith.constant 2 : index
    %get3A_207 = arith.constant 0 : index
    %get3A_208 = arith.constant 0 : index
    %get3A_209 = vector.load %arg1[%get3A_205, %get3A_206, %get3A_207, %get3A_208] : memref<2x3x2048x128xf32, #tpu.memory_space<vmem>>, vector<1x1x2048x128xf32>
    %get3A_210 = vector.shape_cast %get3A_209 : vector<1x1x2048x128xf32> to vector<2048x128xf32>
    %add3A_211 = arith.addf %get3A_204, %get3A_210 : vector<2048x128xf32>
    %get3A_212 = arith.constant 0 : index
    %get3A_213 = arith.constant 2 : index
    %get3A_214 = arith.constant 0 : index
    %get3A_215 = arith.constant 0 : index
    %get3A_216 = vector.load %arg2[%get3A_212, %get3A_213, %get3A_214, %get3A_215] : memref<2x3x16x128xf32, #tpu.memory_space<vmem>>, vector<1x1x16x128xf32>
    %get3A_217 = vector.shape_cast %get3A_216 : vector<1x1x16x128xf32> to vector<16x128xf32>
    %get3A_218 = arith.constant 1 : index
    %get3A_219 = arith.constant 2 : index
    %get3A_220 = arith.constant 0 : index
    %get3A_221 = arith.constant 0 : index
    %get3A_222 = vector.load %arg2[%get3A_218, %get3A_219, %get3A_220, %get3A_221] : memref<2x3x16x128xf32, #tpu.memory_space<vmem>>, vector<1x1x16x128xf32>
    %get3A_223 = vector.shape_cast %get3A_222 : vector<1x1x16x128xf32> to vector<16x128xf32>
    %add3A_224 = arith.addf %get3A_217, %get3A_223 : vector<16x128xf32>
    %max3A_225 = arith.constant 1.000000e+00 : f32
    %max3A_226 = vector.broadcast %max3A_225 : f32 to vector<16x128xf32>
    %max3A_227 = arith.maximumf %add3A_224, %max3A_226 : vector<16x128xf32>
    %transpose3A_228 = tpu.transpose %max3A_227, [1, 0] : vector<16x128xf32> -> vector<128x16xf32>
    %slice3A_229 = vector.extract_strided_slice %add3A_211 {offsets = [0, 0], sizes = [128, 128], strides = [1, 1]} : vector<2048x128xf32> to vector<128x128xf32>
    %slice3A_230 = vector.extract_strided_slice %transpose3A_228 {offsets = [0, 0], sizes = [128, 1], strides = [1, 1]} : vector<128x16xf32> to vector<128x1xf32>
    %div3A_231 = vector.broadcast %slice3A_230 : vector<128x1xf32> to vector<128x128xf32>
    %div3A_232 = arith.divf %slice3A_229, %div3A_231 : vector<128x128xf32>
    %slice3A_233 = vector.extract_strided_slice %add3A_211 {offsets = [128, 0], sizes = [128, 128], strides = [1, 1]} : vector<2048x128xf32> to vector<128x128xf32>
    %slice3A_234 = vector.extract_strided_slice %transpose3A_228 {offsets = [0, 1], sizes = [128, 1], strides = [1, 1]} : vector<128x16xf32> to vector<128x1xf32>
    %div3A_235 = vector.broadcast %slice3A_234 : vector<128x1xf32> to vector<128x128xf32>
    %div3A_236 = arith.divf %slice3A_233, %div3A_235 : vector<128x128xf32>
    %slice3A_237 = vector.extract_strided_slice %add3A_211 {offsets = [256, 0], sizes = [128, 128], strides = [1, 1]} : vector<2048x128xf32> to vector<128x128xf32>
    %slice3A_238 = vector.extract_strided_slice %transpose3A_228 {offsets = [0, 2], sizes = [128, 1], strides = [1, 1]} : vector<128x16xf32> to vector<128x1xf32>
    %div3A_239 = vector.broadcast %slice3A_238 : vector<128x1xf32> to vector<128x128xf32>
    %div3A_240 = arith.divf %slice3A_237, %div3A_239 : vector<128x128xf32>
    %slice3A_241 = vector.extract_strided_slice %add3A_211 {offsets = [384, 0], sizes = [128, 128], strides = [1, 1]} : vector<2048x128xf32> to vector<128x128xf32>
    %slice3A_242 = vector.extract_strided_slice %transpose3A_228 {offsets = [0, 3], sizes = [128, 1], strides = [1, 1]} : vector<128x16xf32> to vector<128x1xf32>
    %div3A_243 = vector.broadcast %slice3A_242 : vector<128x1xf32> to vector<128x128xf32>
    %div3A_244 = arith.divf %slice3A_241, %div3A_243 : vector<128x128xf32>
    %slice3A_245 = vector.extract_strided_slice %add3A_211 {offsets = [512, 0], sizes = [128, 128], strides = [1, 1]} : vector<2048x128xf32> to vector<128x128xf32>
    %slice3A_246 = vector.extract_strided_slice %transpose3A_228 {offsets = [0, 4], sizes = [128, 1], strides = [1, 1]} : vector<128x16xf32> to vector<128x1xf32>
    %div3A_247 = vector.broadcast %slice3A_246 : vector<128x1xf32> to vector<128x128xf32>
    %div3A_248 = arith.divf %slice3A_245, %div3A_247 : vector<128x128xf32>
    %slice3A_249 = vector.extract_strided_slice %add3A_211 {offsets = [640, 0], sizes = [128, 128], strides = [1, 1]} : vector<2048x128xf32> to vector<128x128xf32>
    %slice3A_250 = vector.extract_strided_slice %transpose3A_228 {offsets = [0, 5], sizes = [128, 1], strides = [1, 1]} : vector<128x16xf32> to vector<128x1xf32>
    %div3A_251 = vector.broadcast %slice3A_250 : vector<128x1xf32> to vector<128x128xf32>
    %div3A_252 = arith.divf %slice3A_249, %div3A_251 : vector<128x128xf32>
    %slice3A_253 = vector.extract_strided_slice %add3A_211 {offsets = [768, 0], sizes = [128, 128], strides = [1, 1]} : vector<2048x128xf32> to vector<128x128xf32>
    %slice3A_254 = vector.extract_strided_slice %transpose3A_228 {offsets = [0, 6], sizes = [128, 1], strides = [1, 1]} : vector<128x16xf32> to vector<128x1xf32>
    %div3A_255 = vector.broadcast %slice3A_254 : vector<128x1xf32> to vector<128x128xf32>
    %div3A_256 = arith.divf %slice3A_253, %div3A_255 : vector<128x128xf32>
    %slice3A_257 = vector.extract_strided_slice %add3A_211 {offsets = [896, 0], sizes = [128, 128], strides = [1, 1]} : vector<2048x128xf32> to vector<128x128xf32>
    %slice3A_258 = vector.extract_strided_slice %transpose3A_228 {offsets = [0, 7], sizes = [128, 1], strides = [1, 1]} : vector<128x16xf32> to vector<128x1xf32>
    %div3A_259 = vector.broadcast %slice3A_258 : vector<128x1xf32> to vector<128x128xf32>
    %div3A_260 = arith.divf %slice3A_257, %div3A_259 : vector<128x128xf32>
    %slice3A_261 = vector.extract_strided_slice %add3A_211 {offsets = [1024, 0], sizes = [128, 128], strides = [1, 1]} : vector<2048x128xf32> to vector<128x128xf32>
    %slice3A_262 = vector.extract_strided_slice %transpose3A_228 {offsets = [0, 8], sizes = [128, 1], strides = [1, 1]} : vector<128x16xf32> to vector<128x1xf32>
    %div3A_263 = vector.broadcast %slice3A_262 : vector<128x1xf32> to vector<128x128xf32>
    %div3A_264 = arith.divf %slice3A_261, %div3A_263 : vector<128x128xf32>
    %slice3A_265 = vector.extract_strided_slice %add3A_211 {offsets = [1152, 0], sizes = [128, 128], strides = [1, 1]} : vector<2048x128xf32> to vector<128x128xf32>
    %slice3A_266 = vector.extract_strided_slice %transpose3A_228 {offsets = [0, 9], sizes = [128, 1], strides = [1, 1]} : vector<128x16xf32> to vector<128x1xf32>
    %div3A_267 = vector.broadcast %slice3A_266 : vector<128x1xf32> to vector<128x128xf32>
    %div3A_268 = arith.divf %slice3A_265, %div3A_267 : vector<128x128xf32>
    %slice3A_269 = vector.extract_strided_slice %add3A_211 {offsets = [1280, 0], sizes = [128, 128], strides = [1, 1]} : vector<2048x128xf32> to vector<128x128xf32>
    %slice3A_270 = vector.extract_strided_slice %transpose3A_228 {offsets = [0, 10], sizes = [128, 1], strides = [1, 1]} : vector<128x16xf32> to vector<128x1xf32>
    %div3A_271 = vector.broadcast %slice3A_270 : vector<128x1xf32> to vector<128x128xf32>
    %div3A_272 = arith.divf %slice3A_269, %div3A_271 : vector<128x128xf32>
    %slice3A_273 = vector.extract_strided_slice %add3A_211 {offsets = [1408, 0], sizes = [128, 128], strides = [1, 1]} : vector<2048x128xf32> to vector<128x128xf32>
    %slice3A_274 = vector.extract_strided_slice %transpose3A_228 {offsets = [0, 11], sizes = [128, 1], strides = [1, 1]} : vector<128x16xf32> to vector<128x1xf32>
    %div3A_275 = vector.broadcast %slice3A_274 : vector<128x1xf32> to vector<128x128xf32>
    %div3A_276 = arith.divf %slice3A_273, %div3A_275 : vector<128x128xf32>
    %slice3A_277 = vector.extract_strided_slice %add3A_211 {offsets = [1536, 0], sizes = [128, 128], strides = [1, 1]} : vector<2048x128xf32> to vector<128x128xf32>
    %slice3A_278 = vector.extract_strided_slice %transpose3A_228 {offsets = [0, 12], sizes = [128, 1], strides = [1, 1]} : vector<128x16xf32> to vector<128x1xf32>
    %div3A_279 = vector.broadcast %slice3A_278 : vector<128x1xf32> to vector<128x128xf32>
    %div3A_280 = arith.divf %slice3A_277, %div3A_279 : vector<128x128xf32>
    %slice3A_281 = vector.extract_strided_slice %add3A_211 {offsets = [1664, 0], sizes = [128, 128], strides = [1, 1]} : vector<2048x128xf32> to vector<128x128xf32>
    %slice3A_282 = vector.extract_strided_slice %transpose3A_228 {offsets = [0, 13], sizes = [128, 1], strides = [1, 1]} : vector<128x16xf32> to vector<128x1xf32>
    %div3A_283 = vector.broadcast %slice3A_282 : vector<128x1xf32> to vector<128x128xf32>
    %div3A_284 = arith.divf %slice3A_281, %div3A_283 : vector<128x128xf32>
    %slice3A_285 = vector.extract_strided_slice %add3A_211 {offsets = [1792, 0], sizes = [128, 128], strides = [1, 1]} : vector<2048x128xf32> to vector<128x128xf32>
    %slice3A_286 = vector.extract_strided_slice %transpose3A_228 {offsets = [0, 14], sizes = [128, 1], strides = [1, 1]} : vector<128x16xf32> to vector<128x1xf32>
    %div3A_287 = vector.broadcast %slice3A_286 : vector<128x1xf32> to vector<128x128xf32>
    %div3A_288 = arith.divf %slice3A_285, %div3A_287 : vector<128x128xf32>
    %slice3A_289 = vector.extract_strided_slice %add3A_211 {offsets = [1920, 0], sizes = [128, 128], strides = [1, 1]} : vector<2048x128xf32> to vector<128x128xf32>
    %slice3A_290 = vector.extract_strided_slice %transpose3A_228 {offsets = [0, 15], sizes = [128, 1], strides = [1, 1]} : vector<128x16xf32> to vector<128x1xf32>
    %div3A_291 = vector.broadcast %slice3A_290 : vector<128x1xf32> to vector<128x128xf32>
    %div3A_292 = arith.divf %slice3A_289, %div3A_291 : vector<128x128xf32>
    %concatenate3A_293 = tpu.concatenate %div3A_232, %div3A_236, %div3A_240, %div3A_244, %div3A_248, %div3A_252, %div3A_256, %div3A_260, %div3A_264, %div3A_268, %div3A_272, %div3A_276, %div3A_280, %div3A_284, %div3A_288, %div3A_292 in 0 : vector<128x128xf32>, vector<128x128xf32>, vector<128x128xf32>, vector<128x128xf32>, vector<128x128xf32>, vector<128x128xf32>, vector<128x128xf32>, vector<128x128xf32>, vector<128x128xf32>, vector<128x128xf32>, vector<128x128xf32>, vector<128x128xf32>, vector<128x128xf32>, vector<128x128xf32>, vector<128x128xf32>, vector<128x128xf32> -> vector<2048x128xf32>
    %get3A_294 = arith.constant 2 : index
    %get3A_295 = arith.constant 0 : index
    %get3A_296 = arith.constant 0 : index
    %get3A_297 = vector.load %arg3[%get3A_294, %get3A_295, %get3A_296] : memref<3x128x128xf32, #tpu.memory_space<vmem>>, vector<1x128x128xf32>
    %get3A_298 = vector.shape_cast %get3A_297 : vector<1x128x128xf32> to vector<128x128xf32>
    %dot_general3A_299 = arith.constant dense<0.000000e+00> : vector<2048x128xf32>
    %dot_general3A_300 = tpu.matmul %concatenate3A_293, %get3A_298, %dot_general3A_299 {dimension_numbers = #tpu.dot_dimension_numbers<[1], [0], [0], [1], [0, 0, 1, 1], [], []>, precision = #tpu.contract_precision<fp32>, transpose_lhs_hint = false} : vector<2048x128xf32>, vector<128x128xf32>, vector<2048x128xf32> -> vector<2048x128xf32>
    %add3A_301 = arith.addf %add3A_198, %dot_general3A_300 : vector<2048x128xf32>
    %swap3A = arith.constant 0 : index
    %swap3A_302 = arith.constant 0 : index
    %swap3A_303 = vector.load %arg4[%swap3A, %swap3A_302] : memref<2048x128xf32, #tpu.memory_space<vmem>>, vector<2048x128xf32>
    tpu.vector_store %arg4[%swap3A, %swap3A_302], %add3A_301 {strides = array<i32>} : memref<2048x128xf32, #tpu.memory_space<vmem>>, vector<2048x128xf32>,
    return
  }
  func.func @transform_0(%arg0: i32) -> (i32, i32, i32, i32) {
    %c0_i32 = arith.constant 0 : i32
    %c0_i32_0 = arith.constant 0 : i32
    %c0_i32_1 = arith.constant 0 : i32
    %c0_i32_2 = arith.constant 0 : i32
    return %c0_i32, %c0_i32_0, %arg0, %c0_i32_1 : i32, i32, i32, i32
  }
  func.func @transform_1(%arg0: i32) -> (i32, i32, i32, i32) {
    %c0_i32 = arith.constant 0 : i32
    %c0_i32_0 = arith.constant 0 : i32
    %c0_i32_1 = arith.constant 0 : i32
    %c0_i32_2 = arith.constant 0 : i32
    return %c0_i32, %c0_i32_0, %arg0, %c0_i32_1 : i32, i32, i32, i32
  }
  func.func @transform_2(%arg0: i32) -> (i32, i32, i32) {
    %c0_i32 = arith.constant 0 : i32
    %c0_i32_0 = arith.constant 0 : i32
    %c0_i32_1 = arith.constant 0 : i32
    %c0_i32_2 = arith.constant 0 : i32
    return %c0_i32, %c0_i32_0, %c0_i32_1 : i32, i32, i32
  }
  func.func @transform_3(%arg0: i32) -> (i32, i32) {
    %c0_i32 = arith.constant 0 : i32
    %c0_i32_0 = arith.constant 0 : i32
    return %arg0, %c0_i32 : i32, i32
  }
}

</mosaic_0001>

<sc_bundles>
// kernel: kernel.4.cloned.1.call-start
scs
__scs_entry_jumppad:
0x0: {  	(pc) =	sbr.rel $0x88, $3  }
0x1: {  	(tag) =	ssettag $0x0;
	lr =	simm.s32 $0x1  }
0x2: {  	[smem:$0x3F9A] =	sst lr;
	_ =	strace $0xD0000000  }
0x3: {  	_ = 	snop  }
0x4: {  	_ = 	snop  }
0x5: {  	_ = 	snop  }
0x6: {  	_ = 	snop  }
0x7: {  	_ = 	snop  }
__scs_overlays_trampoline_lowered:
0x8: {  	[smem:$0x3FA9] =	sst s0  }
0x9: {  	[smem:$0x3FAA] =	sst s1  }
0xa: {  	[smem:$0x3FAB] =	sst s2  }
0xb: {  	[smem:$0x3FAC] =	sst s3  }
0xc: {  	[smem:$0x3FAD] =	sst s4  }
0xd: {  	[smem:$0x3FAE] =	sst s5  }
0xe: {  	[smem:$0x3FAF] =	sst s6  }
0xf: {  	[smem:$0x3FB0] =	sst s7  }
0x10: {  	[smem:$0x3FB1] =	sst s8  }
0x11: {  	[smem:$0x3FB2] =	sst s9;
	s0 =	simm.s32 @!p0 $0x0  }
0x12: {  	s1 =	sld [smem:$0x3F98];
	s0 =	simm.s32 @p0 $0x1  }
0x13: {  	[smem:$0x3FB3] =	sst s0;
	s0 =	simm.s32 @!p1 $0x0  }
0x14: {  	s2 =	sld [smem:$0x3F97];
	s0 =	simm.s32 @p1 $0x1  }
0x15: {  	[smem:$0x3FB4] =	sst s0;
	s0 =	simm.s32 @!p2 $0x0  }
0x16: {  	s3 =	sld [smem:$0x3FDB];
	s0 =	simm.s32 @p2 $0x1  }
0x17: {  	s4 =	simm.s32 $0x1BF5;
	[smem:$0x3FB6] =	sst s0  }
0x18: {  	s0 =	sld [smem:$0x3F99];
	_ =	swait.ge [sflag:s4], $0x0  }
0x19: {  	s7 =	sld [smem:$0x3F9A]  }
0x1a: {  	s8 =	sadd.s32 $0xFFFFE003, lr  }
0x1b: {  	s9 =	sadd.s32 $0xFFFFFEF7, lr;
	s5 =	simm.s32 $0xFFFFFFFF;
	p2 =	slt.u32 s8, $0xFFFFF086  }
0x1c: {  	p1 =	slt.u32 s9, $0xF7A;
	s5 =	simm.s32 @!p2 $0x0  }
0x1d: {  	s5 =	simm.s32 @p1 $0x1;
	p0 =	seq.s32 s7, s2  }
0x1e: {  	s7 =	smul.u32 @!p0 $0xF7A, s2;
	p2 =	seq.s32 @!p0 s5, $0x0  }
0x1f: {  	s9 =	smul.u32 $0xF7A, s1;
	s8 =	simm.s32 @!p0 $0x1BF5;
	p2 =	por !p2, p0  }
0x20: {  	[sflag:s8] =	ssyncset.s32 @!p0 $0xFFFFF086;
	s6 =	sadd.s32 @!p0 s3, s7;
	s7 =	simm.s32 @!p0 $0x108  }
0x21: {  	s3 =	sadd.s32 s3, s9;
	s6 =	sadd.s32 @!p0 $0x88, s6;
	s7 =	simm.s32 @p2 $0x1082  }
0x22: {  	[simem:s7], [sflag:s8] =	dma.local @!p0 [hbm:s6], $0xF7A  }
0x23: {  	s9 =	sor.u32 $0xD0000000, s2;
	s6 =	simm.s32 $0x108;
	_ =	swait.ge @!p0 [sflag:s8], $0x0  }
0x24: {  	s3 =	sadd.s32 $0x88, s3;
	s6 =	simm.s32 @!p1 $0x1082;
	[sflag:s4] =	ssyncset.s32 $0xFFFFF086  }
0x25: {  	[simem:s6], [sflag:s4] =	dma.local [hbm:s3], $0xF7A  }
0x26: {  	[smem:$0x3F9A] =	sst s1;
	(tag) =	ssettag s2;
	_ =	strace s9  }
0x27: {  	s1 =	sld [smem:$0x3FAA]  }
0x28: {  	s2 =	sld [smem:$0x3FAB]  }
0x29: {  	s4 =	sld [smem:$0x3FAD]  }
0x2a: {  	p0 =	seq.s32 s5, $0x0;
	s5 =	sld [smem:$0x3FAE]  }
0x2b: {  	s6 =	sld [smem:$0x3FAF]  }
0x2c: {  	s7 =	sld [smem:$0x3FB0]  }
0x2d: {  	s3 =	simm.s32 $0x108;
	s8 =	sld [smem:$0x3FB1]  }
0x2e: {  	s3 =	simm.s32 @!p0 $0x1082;
	s9 =	sld [smem:$0x3FB2]  }
0x2f: {  	lr =	sadd.s32 s0, s3;
	s0 =	sld [smem:$0x3FA9]  }
0x30: {  	s3 =	sld [smem:$0x3FAC]  }
0x31: {  	[smem:$0x3FB5] =	sst s10  }
0x32: {  	s10 =	sld [smem:$0x3FB3];
	_ =	sdelay $0x3  }
0x33: {  	p0 =	seq.s32 s10, $0x1;
	s10 =	sld [smem:$0x3FB5];
	_ =	sdelay $0x3  }
0x34: {  	[smem:$0x3FB5] =	sst s10  }
0x35: {  	s10 =	sld [smem:$0x3FB4];
	_ =	sdelay $0x3  }
0x36: {  	p1 =	seq.s32 s10, $0x1;
	s10 =	sld [smem:$0x3FB5];
	_ =	sdelay $0x3  }
0x37: {  	[smem:$0x3FB5] =	sst s10  }
0x38: {  	s10 =	sld [smem:$0x3FB6]  }
0x39: {  	_ = 	snop;
	(pc) =	sbr.ind lr, $3  }
0x3a: {  	_ = 	snop  }
0x3b: {  	_ = 	snop  }
0x3c: {  	p2 =	seq.s32 s10, $0x1;
	s10 =	sld [smem:$0x3FB5]  }
0x3d: {  	_ =	shalt  }
0x3e: {  	_ =	shalt  }
0x3f: {  	_ =	shalt  }
0x40: {  	_ =	shalt  }
0x41: {  	_ =	shalt  }
0x42: {  	_ =	shalt  }
0x43: {  	_ =	shalt  }
0x44: {  	_ =	shalt  }
0x45: {  	_ =	shalt  }
0x46: {  	_ =	shalt  }
0x47: {  	_ =	shalt  }
0x48: {  	_ =	shalt  }
0x49: {  	_ =	shalt  }
0x4a: {  	_ =	shalt  }
0x4b: {  	_ =	shalt  }
0x4c: {  	_ =	shalt  }
0x4d: {  	_ =	shalt  }
0x4e: {  	_ =	shalt  }
0x4f: {  	_ =	shalt  }
0x50: {  	_ =	shalt  }
0x51: {  	_ =	shalt  }
0x52: {  	_ =	shalt  }
0x53: {  	_ =	shalt  }
0x54: {  	_ =	shalt  }
0x55: {  	_ =	shalt  }
0x56: {  	_ =	shalt  }
0x57: {  	_ =	shalt  }
0x58: {  	_ =	shalt  }
0x59: {  	_ =	shalt  }
0x5a: {  	_ =	shalt  }
0x5b: {  	_ =	shalt  }
0x5c: {  	_ =	shalt  }
0x5d: {  	_ =	shalt  }
0x5e: {  	_ =	shalt  }
0x5f: {  	_ =	shalt  }
0x60: {  	_ =	shalt  }
0x61: {  	_ =	shalt  }
0x62: {  	_ =	shalt  }
0x63: {  	_ =	shalt  }
0x64: {  	_ =	shalt  }
0x65: {  	_ =	shalt  }
0x66: {  	_ =	shalt  }
0x67: {  	_ =	shalt  }
0x68: {  	_ =	shalt  }
0x69: {  	_ =	shalt  }
0x6a: {  	_ =	shalt  }
0x6b: {  	_ =	shalt  }
0x6c: {  	_ =	shalt  }
0x6d: {  	_ =	shalt  }
0x6e: {  	_ =	shalt  }
0x6f: {  	_ =	shalt  }
0x70: {  	_ =	shalt  }
0x71: {  	_ =	shalt  }
0x72: {  	_ =	shalt  }
0x73: {  	_ =	shalt  }
0x74: {  	_ =	shalt  }
0x75: {  	_ =	shalt  }
0x76: {  	_ =	shalt  }
0x77: {  	_ =	shalt  }
0x78: {  	_ =	shalt  }
0x79: {  	_ =	shalt  }
0x7a: {  	_ =	shalt  }
0x7b: {  	_ =	shalt  }
0x7c: {  	_ =	shalt  }
0x7d: {  	_ =	shalt  }
0x7e: {  	_ =	shalt  }
0x7f: {  	_ =	shalt  }
0x80: {  	_ =	shalt  }
0x81: {  	_ =	shalt  }
0x82: {  	_ =	shalt  }
0x83: {  	_ =	shalt  }
0x84: {  	_ =	shalt  }
0x85: {  	_ =	shalt  }
0x86: {  	_ =	shalt  }
0x87: {  	_ =	shalt  }
.Lfunc_end0:
.L_simem_size_0:
called_computation_lowered:
.L_overlay_start_0:
0x88: {  	s2 =	sld [smem:$0x3FD9]  }
0x89: {  	s3 =	sld [smem:$0x3FFE];
	_ =	sdelay $0x1  }
0x8a: {  	s1 =	srdreg.scid  }
0x8b: {  	s0 =	sand.u32 $0x1, s1  }
0x8c: {  	s17 =	sshll.u32 s0, $0xA;
	s2 =	sadd.s32 s3, s2  }
0x8d: {  	s2 =	sadd.s32 s2, s17  }
0x8e: {  	[smem:$0x3FC1] =	sst s2  }
0x8f: {  	_ = 	snop  }
0x90: {  	s2 =	sld [smem:$0x3FC9]  }
0x91: {  	s18 =	sld [smem:$0x3FD0];
	(tm) =	ssettm $0x1  }
0x92: {  	s4 =	sld [smem:$0x3FFB];
	_ =	sdelay $0x3  }
0x93: {  	_ =	strace s4  }
0x94: {  	s4 =	sld [smem:$0x3FFC];
	_ =	sdelay $0x3  }
0x95: {  	_ =	strace s4  }
0x96: {  	s4 =	sld [smem:$0x3FFD];
	_ =	sdelay $0x3  }
0x97: {  	_ =	strace s4  }
0x98: {  	_ =	strace $0x8FFFFFFF  }
0x99: {  	s19 =	sld [smem:$0x3FDB];
	_ =	sdelay $0x1  }
0x9a: {  	s5 =	simm.s32 $_scs_section_size  }
0x9b: {  	s6 =	simm.s32 $_size__tile_overlayer_lowered;
	s7 =	simm.s32 $_tile_overlayer_lowered  }
0x9c: {  	s22 =	simm.s32 $0x1BFF;
	s21 =	sshll.u32 s7, $0x1;
	s4 =	sadd.s32 s5, s19  }
0x9d: {  	s8 =	simm.s32 $0x0;
	s20 =	sshll.u32 s6, $0x1;
	s6 =	sadd.s32 s21, s4  }
0x9e: {  	[timem:s8], [sflag:s22] =	dma.local [hbm:s6], s20  }
0x9f: {  	_ =	swait.ge [sflag:s22], s20  }
0xa0: {  	s5 =	ssub.s32 $0x0, s20;
	[sflag:s22] =	ssyncset.done $0x0  }
0xa1: {  	[sflag:s22] =	ssyncadd.s32 s5;
	_ =	sdelay $0x1  }
0xa2: {  	s23 =	simm.s32 $0x1B8B  }
0xa3: {  	_ =	swait.ge [sflag:s23], $0x1  }
0xa4: {  	[sflag:s23] =	ssyncset.done $0x0  }
0xa5: {  	s25 =	simm.s32 $0x1B8E;
	s24 =	sld [smem:$0x3FFE];
	[sflag:s23] =	ssyncadd.s32 $0xFFFFFFFF  }
0xa6: {  	s26 =	simm.s32 $execute0_lowered;
	[smem:$0x3FD2] =	sst s25  }
0xa7: {  	s6 =	sshll.u32 s26, $0x1;
	_ =	strace $0x80000046;
	[dreg:$0x1] =	wrdreg $0xFFFFFFFF  }
0xa8: {  	s28 =	simm.s32 $_size_execute0_lowered;
	s4 =	sadd.s32 s4, s6;
	[dreg:$0x0] =	wrdreg $0x0  }
0xa9: {  	s6 =	sshll.u32 s28, $0x1;
	[dreg:$0x2] =	wrdreg s4  }
0xaa: {  	[dreg:$0x3] =	wrdreg s6  }
0xab: {  	[dreg:$0x4] =	wrdreg $0xC0  }
0xac: {  	_ =	task [dreg:s8], $0x5FFFF  }
0xad: {  	[dreg:$0x1] =	wrdreg $0xFFFFFFFF  }
0xae: {  	[dreg:$0x0] =	wrdreg $0x60  }
0xaf: {  	[dreg:$0x2] =	wrdreg s2  }
0xb0: {  	[dreg:$0x3] =	wrdreg s18  }
0xb1: {  	[dreg:$0x4] =	wrdreg s24  }
0xb2: {  	[dreg:$0x5] =	wrdreg $0xB3000  }
0xb3: {  	[dreg:$0x6] =	wrdreg $0x1F3000  }
0xb4: {  	[dreg:$0x7] =	wrdreg $0x9  }
0xb5: {  	_ =	task.clear_ibuf [dreg:s8], $0x8FFFF;
	_ =	strace $0x90000046  }
0xb6: {  	s29 =	simm.s32 $0x9;
	_ =	strace $0x80000048  }
0xb7: {  	_ =	swait.ge [sflag:s29], $0x1  }
0xb8: {  	[sflag:s29] =	ssyncadd.s32 $0xFFFFFFFF  }
0xb9: {  	_ =	strace $0x90000048  }
0xba: {  	_ =	sfence  }
0xbb: {  	s30 =	sld [smem:$0x0];
	_ =	sdelay $0x2  }
0xbc: {  	s31 =	sshll.u32 s1, $0xD;
	s1 =	sshrl.u32 s1, $0x2  }
0xbd: {  	s3 =	sand.u32 $0x4000, s31;
	s1 =	sadd.s32 s1, s30  }
0xbe: {  	s0 =	sor.u32 s3, s0;
	s1 =	sshll.u32 s1, $0x11  }
0xbf: {  	s0 =	sor.u32 s1, s0  }
0xc0: {  	s0 =	sadd.s32 $0x8F2B, s0  }
0xc1: {  	[sflag:s0] =	ssyncadd.remote.s32 $0x1  }
0xc2: {  	_ =	sfence.sel $0xFFFF  }
0xc3: {  	[dreg:$0x0] =	wrdreg $0xFFFFFFFF;
	(pc) =	sbr.abs _section_cstart, $3  }
0xc4: {  	[dreg:$0x1] =	wrdreg $0xFFFFFFFF  }
0xc5: {  	_ =	task.clear_ibuf [dreg:s8], $0x2FFFF;
	_ =	strace $0x9FFFFFFF  }
0xc6: {  	(tm) =	ssettm $0x7FFFFFFF  }
0xc7: {  	_ =	shalt  }
tec
execute0_lowered:
.L_overlay_start_1:
0x0: {  	(tag) =	ssettag $0x1  }
0x1: {  	s1 =	rddreg [dreg:$0x0]  }
0x2: {  	s0 =	rddreg [dreg:$0x1]  }
0x3: {  	s4 =	rddreg [dreg:$0x2]  }
0x4: {  	s2 =	rddreg [dreg:$0x3]  }
0x5: {  	s3 =	rddreg [dreg:$0x4]  }
0x6: {  	s5 =	simm.s32 $0x0;
	s6 =	srdreg.scid;
	s12 =	stileid.u32  }
0x7: {  	s28 =	simm.s32 $0xB080;
	s29 =	simm.s32 $0x1400;
	s30 =	simm.s32 $0x80  }
0x8: {  	s31 =	simm.s32 $0x2800;
	[smem:$0x7FF] =	sst s5;
	s6 =	sand.u32 $0x1, s6  }
0x9: {  	s8 =	smul.u32 $0x14000, s12;
	s11 =	sadd.s32 $0x1C00, s4;
	s9 =	sadd.s32 $0x10C00, s4  }
0xa: {  	s10 =	smul.u32 $0x280, s12;
	s25 =	sadd.s32 $0x11000, s4;
	s14 =	sshll.u32 s12, $0x1  }
0xb: {  	s12 =	smul.u32 $0x50000, s12;
	_ =	strace $0x80000047;
	[dreg:$0x6] =	wrdreg s9  }
0xc: {  	s13 =	sadd.s32 $0x10E00, s4;
	s7 =	smul.u32 $0x3C0000, s6;
	[dreg:$0x7] =	wrdreg s25  }
0xd: {  	s26 =	smul.u32 $0x7800, s6;
	[dreg:$0x8] =	wrdreg s13;
	s9 =	sor.u32 s6, s14  }
0xe: {  	s6 =	ssub.s32 $0x2, s6;
	s14 =	simm.s32 $0x0;
	s9 =	smul.u32 $0x1400, s9  }
0xf: {  	s15 =	sshrl.u32 s6, $0x1;
	s16 =	sshrl.u32 s12, $0x2;
	s12 =	simm.s32 $0x2780  }
0x10: {  	s7 =	sadd.s32 s8, s7;
	s8 =	sadd.s32 s10, s26;
	s17 =	sshrl.u32 s9, $0x3  }
0x11: {  	s7 =	sshrl.u32 s7, $0x3;
	s8 =	sshrl.u32 s8, $0x3;
	s18 =	sadd.s32 s0, s17  }
0x12: {  	s7 =	sadd.s32 s7, s4;
	s19 =	sadd.s32 s11, s17;
	[dreg:$0x9] =	wrdreg s18  }
0x13: {  	s4 =	sadd.s32 s8, s4;
	[dreg:$0xa] =	wrdreg s19;
	s20 =	sadd.s32 $0x13000, s7  }
0x14: {  	s21 =	sadd.s32 $0x5000, s17;
	s13 =	sadd.s32 $0x11200, s4;
	[dreg:$0xb] =	wrdreg s20  }
0x15: {  	s6 =	ssub.s32 s6, s15;
	s22 =	sadd.s32 s0, s21;
	[dreg:$0xc] =	wrdreg s13  }
0x16: {  	s10 =	sadd.s32 s10, s3;
	s8 =	sadd.s32 s11, s21;
	[dreg:$0xd] =	wrdreg s22  }
0x17: {  	s9 =	sadd.s32 s16, s2;
	s23 =	sadd.s32 $0x3B000, s7;
	[dreg:$0xe] =	wrdreg s8  }
0x18: {  	s25 =	sadd.s32 $0xA000, s17;
	s24 =	sadd.s32 $0x11700, s4;
	[dreg:$0xf] =	wrdreg s23  }
0x19: {  	s0 =	sadd.s32 s0, s25;
	s26 =	sadd.s32 s11, s25;
	[dreg:$0x10] =	wrdreg s24  }
0x1a: {  	s21 =	sadd.s32 $0x63000, s7;
	s25 =	simm.s32 $0x6;
	[dreg:$0x11] =	wrdreg s0  }
0x1b: {  	s7 =	simm.s32 $0x2;
	s11 =	simm.s32 $0x2700;
	[dreg:$0x12] =	wrdreg s26  }
0x1c: {  	s22 =	sadd.s32 $0x11C00, s4;
	s23 =	smax.u32 s6, $0x1;
	s24 =	simm.s32 $0xA800  }
0x1d: {  	s26 =	simm.s32 $0xA880;
	s0 =	simm.s32 $0x6800;
	s4 =	simm.s32 $0x1  }
0x1e: {  	s6 =	simm.s32 $0x3;
	s8 =	simm.s32 $0x4;
	s13 =	simm.s32 $0x5  }
.LBB2_1:
0x1f: {  	s15 =	rddreg [dreg:$0x6]  }
0x20: {  	[tilespmem:s24], [sflag:$0x6] =	stream.linear.gather [hbm4b:s15+s5], $0x80, $0x38;
	[tilespmem:$0x1F580] =	vst v63  }
0x21: {  	_ =	swait.ge [sflag:s25], $0x80  }
0x22: {  	[sflag:s25] =	ssyncset.done $0x0  }
0x23: {  	s18 =	rddreg [dreg:$0x7];
	[sflag:s25] =	ssyncadd.s32 $0xFFFFFF80  }
0x24: {  	[tilespmem:s26], [sflag:$0x6] =	stream.linear.gather [hbm4b:s18+s5], $0x800, $0x38;
	[tilespmem:$0x1F580] =	vst v63  }
0x25: {  	_ =	swait.ge [sflag:s25], $0x800  }
0x26: {  	[sflag:s25] =	ssyncset.done $0x0  }
0x27: {  	s19 =	rddreg [dreg:$0x8];
	[sflag:s25] =	ssyncadd.s32 $0xFFFFF800  }
0x28: {  	[tilespmem:s28], [sflag:$0x6] =	stream.linear.gather [hbm4b:s19+s5], $0x280, $0x38;
	[tilespmem:$0x1F580] =	vst v63  }
0x29: {  	_ =	swait.ge [sflag:s25], $0x280  }
0x2a: {  	[sflag:s25] =	ssyncset.done $0x0  }
0x2b: {  	s20 =	sadd.s32 $0x0, s9;
	[sflag:s25] =	ssyncadd.s32 $0xFFFFFD80  }
0x2c: {  	[spmem:s20] =	stream.linear.scatter [tilespmem:s26], [sflag:$0x6], $0x800, $0x38;
	[tilespmem:$0x1F580] =	vst v63  }
0x2d: {  	s15 =	simm.s32 $0x2000;
	_ =	swait.ge [sflag:s25], $0x800  }
.LBB2_2:
0x2e: {  	s16 =	sshra.s32 s15, $0x2;
	[sflag:s25] =	ssyncset.done $0x0;
	p0 =	sne.s32 s15, $0x4E000  }
.Ltmp0:
0x2f: {  	s16 =	sadd.s32 s16, s9;
	[sflag:s25] =	ssyncadd.s32 $0xFFFFF800;
	(pc) =	sbr.rel @p0 .LBB2_2-.Ltmp0, $3  }
0x30: {  	[spmem:s16] =	stream.linear.scatter [tilespmem:s26], [sflag:$0x6], $0x800, $0x38;
	[tilespmem:$0x1F580] =	vst v63  }
0x31: {  	s15 =	sadd.s32 $0x2000, s15;
	_ =	sdelay $0x1  }
0x32: {  	_ =	swait.ge [sflag:s25], $0x800  }
0x33: {  	[sflag:s25] =	ssyncset.done $0x0  }
0x34: {  	[sflag:s25] =	ssyncadd.s32 $0xFFFFF800  }
0x35: {  	[spmem:s10] =	stream.linear.scatter [tilespmem:s28], [sflag:$0x6], $0x280, $0x38;
	[tilespmem:$0x1F580] =	vst v63  }
0x36: {  	_ =	swait.ge [sflag:s25], $0x280  }
0x37: {  	[sflag:s25] =	ssyncset.done $0x0  }
0x38: {  	[sflag:s25] =	ssyncadd.s32 $0xFFFFFD80  }
0x39: {  	[bflag:$0x0] =	sbarrier.arrive $0xFFFF  }
0x3a: {  	s15 =	simm.s32 $0x0;
	s16 =	rddreg [dreg:$0x9]  }
0x3b: {  	[tilespmem:s15], [sflag:$0x6] =	stream.linear.gather [hbm4b:s16+s15], $0x1400, $0x38;
	[tilespmem:$0x1F580] =	vst v63  }
0x3c: {  	_ =	swait.ge [sflag:s25], $0x1400  }
0x3d: {  	[sflag:s25] =	ssyncset.done $0x0  }
0x3e: {  	s17 =	rddreg [dreg:$0xa];
	[sflag:s25] =	ssyncadd.s32 $0xFFFFEC00  }
0x3f: {  	[tilespmem:s29], [sflag:$0x6] =	stream.linear.gather [hbm4b:s17+s15], $0x1400, $0x38;
	[tilespmem:$0x1F580] =	vst v63  }
0x40: {  	_ =	swait.ge [sflag:s25], $0x1400  }
0x41: {  	[sflag:s25] =	ssyncset.done $0x0  }
0x42: {  	[sflag:s25] =	ssyncadd.s32 $0xFFFFEC00  }
0x43: {  	[tilespmem:s31], [sflag:$0x1] =	stream.indirect.gather [hbm4b:s1+s30], $0x80, s15, s30, $0xb8;
	[tilespmem:$0x1F580] =	vst v63  }
0x44: {  	_ = 	snop  }
0x45: {  	[tilespmem:s0], [sflag:$0x2] =	stream.indirect.gather [hbm4b:s1+s30], $0x80, s30, s30, $0xb8;
	[tilespmem:$0x1F580] =	vst v63  }
0x46: {  	_ =	swait.ge [sflag:s4], $0x4000  }
0x47: {  	[sflag:s4] =	ssyncset.done $0x0  }
0x48: {  	s18 =	simm.s32 $0x1400;
	[sflag:s4] =	ssyncadd.s32 $0xFFFFC000  }
0x49: {  	[spmem:s3] =	stream.indirect.scatter.add.f32 [tilespmem:s24], [sflag:$0x5], $0x1, s18, s30, $0xb8;
	[tilespmem:$0x1F580] =	vst v63  }
0x4a: {  	_ = 	snop  }
0x4b: {  	[spmem:s2] =	stream.indirect.scatter.add.f32 [tilespmem:s31], [sflag:$0x3], $0x80, s18, s30, $0xb8;
	[tilespmem:$0x1F580] =	vst v63  }
0x4c: {  	_ =	swait.ge [sflag:s6], $0x4000  }
0x4d: {  	[sflag:s6] =	ssyncset.done $0x0  }
0x4e: {  	s19 =	simm.s32 $0x100;
	[sflag:s6] =	ssyncadd.s32 $0xFFFFC000  }
0x4f: {  	[tilespmem:s31], [sflag:$0x1] =	stream.indirect.gather [hbm4b:s1+s30], $0x80, s19, s30, $0xb8;
	[tilespmem:$0x1F580] =	vst v63  }
0x50: {  	_ =	swait.ge [sflag:s7], $0x4000  }
0x51: {  	[sflag:s7] =	ssyncset.done $0x0  }
0x52: {  	s20 =	simm.s32 $0x1480;
	[sflag:s7] =	ssyncadd.s32 $0xFFFFC000  }
0x53: {  	[spmem:s3] =	stream.indirect.scatter.add.f32 [tilespmem:s24], [sflag:$0x5], $0x1, s20, s30, $0xb8;
	[tilespmem:$0x1F580] =	vst v63  }
0x54: {  	_ = 	snop  }
0x55: {  	[spmem:s2] =	stream.indirect.scatter.add.f32 [tilespmem:s0], [sflag:$0x4], $0x80, s20, s30, $0xb8;
	[tilespmem:$0x1F580] =	vst v63  }
0x56: {  	_ =	swait.ge [sflag:s8], $0x4000  }
0x57: {  	[sflag:s8] =	ssyncset.done $0x0  }
0x58: {  	s16 =	simm.s32 $0x180;
	s15 =	simm.s32 $0x400;
	[sflag:s8] =	ssyncadd.s32 $0xFFFFC000  }
.LBB2_4:
0x59: {  	[tilespmem:s0], [sflag:$0x2] =	stream.indirect.gather [hbm4b:s1+s30], $0x80, s16, s30, $0xb8;
	[tilespmem:$0x1F580] =	vst v63  }
0x5a: {  	s16 =	smov.u32 s15  }
0x5b: {  	p0 =	sne.s32 s15, $0x4800;
	s15 =	sadd.s32 $0x400, s15;
	_ =	swait.ge [sflag:s4], $0x4000  }
0x5c: {  	s16 =	sshra.s32 s16, $0x2;
	[sflag:s4] =	ssyncset.done $0x0  }
0x5d: {  	s17 =	sadd.s32 $0x1400, s16;
	[sflag:s4] =	ssyncadd.s32 $0xFFFFC000  }
0x5e: {  	[spmem:s3] =	stream.indirect.scatter.add.f32 [tilespmem:s24], [sflag:$0x5], $0x1, s17, s30, $0xb8;
	[tilespmem:$0x1F580] =	vst v63  }
0x5f: {  	_ = 	snop  }
0x60: {  	[spmem:s2] =	stream.indirect.scatter.add.f32 [tilespmem:s31], [sflag:$0x3], $0x80, s17, s30, $0xb8;
	[tilespmem:$0x1F580] =	vst v63  }
0x61: {  	_ =	swait.ge [sflag:s6], $0x4000  }
0x62: {  	[sflag:s6] =	ssyncset.done $0x0  }
0x63: {  	s17 =	sadd.s32 $0x100, s16;
	[sflag:s6] =	ssyncadd.s32 $0xFFFFC000  }
0x64: {  	[tilespmem:s31], [sflag:$0x1] =	stream.indirect.gather [hbm4b:s1+s30], $0x80, s17, s30, $0xb8;
	[tilespmem:$0x1F580] =	vst v63  }
0x65: {  	_ =	swait.ge [sflag:s7], $0x4000  }
0x66: {  	[sflag:s7] =	ssyncset.done $0x0  }
0x67: {  	s17 =	sadd.s32 $0x1480, s16;
	[sflag:s7] =	ssyncadd.s32 $0xFFFFC000  }
0x68: {  	[spmem:s3] =	stream.indirect.scatter.add.f32 [tilespmem:s24], [sflag:$0x5], $0x1, s17, s30, $0xb8;
	[tilespmem:$0x1F580] =	vst v63  }
.Ltmp1:
0x69: {  	(pc) =	sbr.rel @p0 .LBB2_4-.Ltmp1, $4  }
0x6a: {  	[spmem:s2] =	stream.indirect.scatter.add.f32 [tilespmem:s0], [sflag:$0x4], $0x80, s17, s30, $0xb8;
	[tilespmem:$0x1F580] =	vst v63  }
0x6b: {  	_ =	swait.ge [sflag:s8], $0x4000  }
0x6c: {  	[sflag:s8] =	ssyncset.done $0x0  }
0x6d: {  	s16 =	sadd.s32 $0x180, s16;
	[sflag:s8] =	ssyncadd.s32 $0xFFFFC000  }
0x6e: {  	[tilespmem:s0], [sflag:$0x2] =	stream.indirect.gather [hbm4b:s1+s30], $0x80, s16, s30, $0xb8;
	[tilespmem:$0x1F580] =	vst v63  }
0x6f: {  	_ =	swait.ge [sflag:s4], $0x4000  }
0x70: {  	[sflag:s4] =	ssyncset.done $0x0  }
0x71: {  	[sflag:s4] =	ssyncadd.s32 $0xFFFFC000  }
0x72: {  	[spmem:s3] =	stream.indirect.scatter.add.f32 [tilespmem:s24], [sflag:$0x5], $0x1, s11, s30, $0xb8;
	[tilespmem:$0x1F580] =	vst v63  }
0x73: {  	_ = 	snop  }
0x74: {  	[spmem:s2] =	stream.indirect.scatter.add.f32 [tilespmem:s31], [sflag:$0x3], $0x80, s11, s30, $0xb8;
	[tilespmem:$0x1F580] =	vst v63  }
0x75: {  	_ =	swait.ge [sflag:s6], $0x4000  }
0x76: {  	[sflag:s6] =	ssyncset.done $0x0  }
0x77: {  	[sflag:s6] =	ssyncadd.s32 $0xFFFFC000  }
0x78: {  	_ =	swait.ge [sflag:s7], $0x4000  }
0x79: {  	[sflag:s7] =	ssyncset.done $0x0  }
0x7a: {  	[sflag:s7] =	ssyncadd.s32 $0xFFFFC000  }
0x7b: {  	[spmem:s3] =	stream.indirect.scatter.add.f32 [tilespmem:s24], [sflag:$0x5], $0x1, s12, s30, $0xb8;
	[tilespmem:$0x1F580] =	vst v63  }
0x7c: {  	_ = 	snop  }
0x7d: {  	[spmem:s2] =	stream.indirect.scatter.add.f32 [tilespmem:s0], [sflag:$0x4], $0x80, s12, s30, $0xb8;
	[tilespmem:$0x1F580] =	vst v63  }
0x7e: {  	_ =	swait.ge [sflag:s8], $0x4000  }
0x7f: {  	[sflag:s8] =	ssyncset.done $0x0  }
0x80: {  	[sflag:s8] =	ssyncadd.s32 $0xFFFFC000  }
0x81: {  	_ =	swait.ge [sflag:s13], $0x80  }
0x82: {  	s15 =	simm.s32 $0x27;
	[sflag:s13] =	ssyncset.done $0x0  }
.LBB2_6:
0x83: {  	p0 =	sne.s32 s15, $0x1;
	s15 =	sadd.s32 $0xFFFFFFFF, s15;
	[sflag:s13] =	ssyncadd.s32 $0xFFFFFF80  }
.Ltmp2:
0x84: {  	(pc) =	sbr.rel @p0 .LBB2_6-.Ltmp2, $3  }
0x85: {  	_ =	sdelay $0x1  }
0x86: {  	_ =	swait.ge [sflag:s13], $0x80  }
0x87: {  	[sflag:s13] =	ssyncset.done $0x0  }
0x88: {  	[sflag:s13] =	ssyncadd.s32 $0xFFFFFF80;
	s15 =	stileid.u32  }
0x89: {  	s15 =	sshll.u32 s15, $0x6;
	[bflag:$0x0] =	sbarrier.arrive $0xFFFF  }
0x8a: {  	s16 =	sshrl.u32 s9, $0x3;
	s15 =	sor.u32 $0x1C06, s15;
	s17 =	rddreg [dreg:$0xb]  }
0x8b: {  	[hbm:s17], [sflag:s15] =	dma.local [spmem:s16], $0x2800  }
0x8c: {  	_ =	swait.ge [sflag:s25], $0x2800  }
0x8d: {  	[sflag:s25] =	ssyncset.done $0x0  }
0x8e: {  	s17 =	sshrl.u32 s10, $0x3;
	s18 =	rddreg [dreg:$0xc];
	[sflag:s25] =	ssyncadd.s32 $0xFFFFD800  }
0x8f: {  	[hbm:s18], [sflag:s15] =	dma.local [spmem:s17], $0x50  }
0x90: {  	_ =	swait.ge [sflag:s25], $0x50  }
0x91: {  	[sflag:s25] =	ssyncset.done $0x0  }
0x92: {  	[sflag:s25] =	ssyncadd.s32 $0xFFFFFFB0  }
0x93: {  	s20 =	sadd.s32 $0x0, s9;
	[bflag:$0x0] =	sbarrier.arrive $0xFFFF  }
0x94: {  	[spmem:s20] =	stream.linear.scatter [tilespmem:s26], [sflag:$0x6], $0x800, $0x38;
	[tilespmem:$0x1F580] =	vst v63  }
0x95: {  	s18 =	simm.s32 $0x2000;
	_ =	swait.ge [sflag:s25], $0x800  }
.LBB2_8:
0x96: {  	s19 =	sshra.s32 s18, $0x2;
	[sflag:s25] =	ssyncset.done $0x0;
	p0 =	sne.s32 s18, $0x4E000  }
.Ltmp3:
0x97: {  	s19 =	sadd.s32 s19, s9;
	[sflag:s25] =	ssyncadd.s32 $0xFFFFF800;
	(pc) =	sbr.rel @p0 .LBB2_8-.Ltmp3, $3  }
0x98: {  	[spmem:s19] =	stream.linear.scatter [tilespmem:s26], [sflag:$0x6], $0x800, $0x38;
	[tilespmem:$0x1F580] =	vst v63  }
0x99: {  	s18 =	sadd.s32 $0x2000, s18;
	_ =	sdelay $0x1  }
0x9a: {  	_ =	swait.ge [sflag:s25], $0x800  }
0x9b: {  	[sflag:s25] =	ssyncset.done $0x0  }
0x9c: {  	[sflag:s25] =	ssyncadd.s32 $0xFFFFF800  }
0x9d: {  	[spmem:s10] =	stream.linear.scatter [tilespmem:s28], [sflag:$0x6], $0x280, $0x38;
	[tilespmem:$0x1F580] =	vst v63  }
0x9e: {  	_ =	swait.ge [sflag:s25], $0x280  }
0x9f: {  	[sflag:s25] =	ssyncset.done $0x0  }
0xa0: {  	[sflag:s25] =	ssyncadd.s32 $0xFFFFFD80  }
0xa1: {  	[bflag:$0x0] =	sbarrier.arrive $0xFFFF  }
0xa2: {  	s18 =	simm.s32 $0x0;
	s19 =	rddreg [dreg:$0xd]  }
0xa3: {  	[tilespmem:s18], [sflag:$0x6] =	stream.linear.gather [hbm4b:s19+s18], $0x1400, $0x38;
	[tilespmem:$0x1F580] =	vst v63  }
0xa4: {  	_ =	swait.ge [sflag:s25], $0x1400  }
0xa5: {  	[sflag:s25] =	ssyncset.done $0x0  }
0xa6: {  	s20 =	rddreg [dreg:$0xe];
	[sflag:s25] =	ssyncadd.s32 $0xFFFFEC00  }
0xa7: {  	[tilespmem:s29], [sflag:$0x6] =	stream.linear.gather [hbm4b:s20+s18], $0x1400, $0x38;
	[tilespmem:$0x1F580] =	vst v63  }
0xa8: {  	_ =	swait.ge [sflag:s25], $0x1400  }
0xa9: {  	[sflag:s25] =	ssyncset.done $0x0  }
0xaa: {  	[sflag:s25] =	ssyncadd.s32 $0xFFFFEC00  }
0xab: {  	[tilespmem:s31], [sflag:$0x1] =	stream.indirect.gather [hbm4b:s1+s30], $0x80, s18, s30, $0xb8;
	[tilespmem:$0x1F580] =	vst v63  }
0xac: {  	_ = 	snop  }
0xad: {  	[tilespmem:s0], [sflag:$0x2] =	stream.indirect.gather [hbm4b:s1+s30], $0x80, s30, s30, $0xb8;
	[tilespmem:$0x1F580] =	vst v63  }
0xae: {  	_ =	swait.ge [sflag:s4], $0x4000  }
0xaf: {  	[sflag:s4] =	ssyncset.done $0x0  }
0xb0: {  	s20 =	simm.s32 $0x1400;
	[sflag:s4] =	ssyncadd.s32 $0xFFFFC000  }
0xb1: {  	[spmem:s3] =	stream.indirect.scatter.add.f32 [tilespmem:s24], [sflag:$0x5], $0x1, s20, s30, $0xb8;
	[tilespmem:$0x1F580] =	vst v63  }
0xb2: {  	_ = 	snop  }
0xb3: {  	[spmem:s2] =	stream.indirect.scatter.add.f32 [tilespmem:s31], [sflag:$0x3], $0x80, s20, s30, $0xb8;
	[tilespmem:$0x1F580] =	vst v63  }
0xb4: {  	_ =	swait.ge [sflag:s6], $0x4000  }
0xb5: {  	[sflag:s6] =	ssyncset.done $0x0  }
0xb6: {  	s19 =	simm.s32 $0x100;
	[sflag:s6] =	ssyncadd.s32 $0xFFFFC000  }
0xb7: {  	[tilespmem:s31], [sflag:$0x1] =	stream.indirect.gather [hbm4b:s1+s30], $0x80, s19, s30, $0xb8;
	[tilespmem:$0x1F580] =	vst v63  }
0xb8: {  	_ =	swait.ge [sflag:s7], $0x4000  }
0xb9: {  	[sflag:s7] =	ssyncset.done $0x0  }
0xba: {  	s20 =	simm.s32 $0x1480;
	[sflag:s7] =	ssyncadd.s32 $0xFFFFC000  }
0xbb: {  	[spmem:s3] =	stream.indirect.scatter.add.f32 [tilespmem:s24], [sflag:$0x5], $0x1, s20, s30, $0xb8;
	[tilespmem:$0x1F580] =	vst v63  }
0xbc: {  	_ = 	snop  }
0xbd: {  	[spmem:s2] =	stream.indirect.scatter.add.f32 [tilespmem:s0], [sflag:$0x4], $0x80, s20, s30, $0xb8;
	[tilespmem:$0x1F580] =	vst v63  }
0xbe: {  	_ =	swait.ge [sflag:s8], $0x4000  }
0xbf: {  	[sflag:s8] =	ssyncset.done $0x0  }
0xc0: {  	s18 =	simm.s32 $0x400;
	s19 =	simm.s32 $0x180;
	[sflag:s8] =	ssyncadd.s32 $0xFFFFC000  }
.LBB2_10:
0xc1: {  	[tilespmem:s0], [sflag:$0x2] =	stream.indirect.gather [hbm4b:s1+s30], $0x80, s19, s30, $0xb8;
	[tilespmem:$0x1F580] =	vst v63  }
0xc2: {  	s19 =	smov.u32 s18  }
0xc3: {  	p0 =	sne.s32 s18, $0x4800;
	s18 =	sadd.s32 $0x400, s18;
	_ =	swait.ge [sflag:s4], $0x4000  }
0xc4: {  	s19 =	sshra.s32 s19, $0x2;
	[sflag:s4] =	ssyncset.done $0x0  }
0xc5: {  	s20 =	sadd.s32 $0x1400, s19;
	[sflag:s4] =	ssyncadd.s32 $0xFFFFC000  }
0xc6: {  	[spmem:s3] =	stream.indirect.scatter.add.f32 [tilespmem:s24], [sflag:$0x5], $0x1, s20, s30, $0xb8;
	[tilespmem:$0x1F580] =	vst v63  }
0xc7: {  	_ = 	snop  }
0xc8: {  	[spmem:s2] =	stream.indirect.scatter.add.f32 [tilespmem:s31], [sflag:$0x3], $0x80, s20, s30, $0xb8;
	[tilespmem:$0x1F580] =	vst v63  }
0xc9: {  	_ =	swait.ge [sflag:s6], $0x4000  }
0xca: {  	[sflag:s6] =	ssyncset.done $0x0  }
0xcb: {  	s20 =	sadd.s32 $0x100, s19;
	[sflag:s6] =	ssyncadd.s32 $0xFFFFC000  }
0xcc: {  	[tilespmem:s31], [sflag:$0x1] =	stream.indirect.gather [hbm4b:s1+s30], $0x80, s20, s30, $0xb8;
	[tilespmem:$0x1F580] =	vst v63  }
0xcd: {  	_ =	swait.ge [sflag:s7], $0x4000  }
0xce: {  	[sflag:s7] =	ssyncset.done $0x0  }
0xcf: {  	s20 =	sadd.s32 $0x1480, s19;
	[sflag:s7] =	ssyncadd.s32 $0xFFFFC000  }
0xd0: {  	[spmem:s3] =	stream.indirect.scatter.add.f32 [tilespmem:s24], [sflag:$0x5], $0x1, s20, s30, $0xb8;
	[tilespmem:$0x1F580] =	vst v63  }
.Ltmp4:
0xd1: {  	(pc) =	sbr.rel @p0 .LBB2_10-.Ltmp4, $4  }
0xd2: {  	[spmem:s2] =	stream.indirect.scatter.add.f32 [tilespmem:s0], [sflag:$0x4], $0x80, s20, s30, $0xb8;
	[tilespmem:$0x1F580] =	vst v63  }
0xd3: {  	_ =	swait.ge [sflag:s8], $0x4000  }
0xd4: {  	[sflag:s8] =	ssyncset.done $0x0  }
0xd5: {  	s19 =	sadd.s32 $0x180, s19;
	[sflag:s8] =	ssyncadd.s32 $0xFFFFC000  }
0xd6: {  	[tilespmem:s0], [sflag:$0x2] =	stream.indirect.gather [hbm4b:s1+s30], $0x80, s19, s30, $0xb8;
	[tilespmem:$0x1F580] =	vst v63  }
0xd7: {  	_ =	swait.ge [sflag:s4], $0x4000  }
0xd8: {  	[sflag:s4] =	ssyncset.done $0x0  }
0xd9: {  	[sflag:s4] =	ssyncadd.s32 $0xFFFFC000  }
0xda: {  	[spmem:s3] =	stream.indirect.scatter.add.f32 [tilespmem:s24], [sflag:$0x5], $0x1, s11, s30, $0xb8;
	[tilespmem:$0x1F580] =	vst v63  }
0xdb: {  	_ = 	snop  }
0xdc: {  	[spmem:s2] =	stream.indirect.scatter.add.f32 [tilespmem:s31], [sflag:$0x3], $0x80, s11, s30, $0xb8;
	[tilespmem:$0x1F580] =	vst v63  }
0xdd: {  	_ =	swait.ge [sflag:s6], $0x4000  }
0xde: {  	[sflag:s6] =	ssyncset.done $0x0  }
0xdf: {  	[sflag:s6] =	ssyncadd.s32 $0xFFFFC000  }
0xe0: {  	_ =	swait.ge [sflag:s7], $0x4000  }
0xe1: {  	[sflag:s7] =	ssyncset.done $0x0  }
0xe2: {  	[sflag:s7] =	ssyncadd.s32 $0xFFFFC000  }
0xe3: {  	[spmem:s3] =	stream.indirect.scatter.add.f32 [tilespmem:s24], [sflag:$0x5], $0x1, s12, s30, $0xb8;
	[tilespmem:$0x1F580] =	vst v63  }
0xe4: {  	_ = 	snop  }
0xe5: {  	[spmem:s2] =	stream.indirect.scatter.add.f32 [tilespmem:s0], [sflag:$0x4], $0x80, s12, s30, $0xb8;
	[tilespmem:$0x1F580] =	vst v63  }
0xe6: {  	_ =	swait.ge [sflag:s8], $0x4000  }
0xe7: {  	[sflag:s8] =	ssyncset.done $0x0  }
0xe8: {  	[sflag:s8] =	ssyncadd.s32 $0xFFFFC000  }
0xe9: {  	_ =	swait.ge [sflag:s13], $0x80  }
0xea: {  	s18 =	simm.s32 $0x27;
	[sflag:s13] =	ssyncset.done $0x0  }
.LBB2_12:
0xeb: {  	p0 =	sne.s32 s18, $0x1;
	s18 =	sadd.s32 $0xFFFFFFFF, s18;
	[sflag:s13] =	ssyncadd.s32 $0xFFFFFF80  }
.Ltmp5:
0xec: {  	(pc) =	sbr.rel @p0 .LBB2_12-.Ltmp5, $3  }
0xed: {  	_ =	sdelay $0x1  }
0xee: {  	_ =	swait.ge [sflag:s13], $0x80  }
0xef: {  	[sflag:s13] =	ssyncset.done $0x0  }
0xf0: {  	[sflag:s13] =	ssyncadd.s32 $0xFFFFFF80  }
0xf1: {  	[bflag:$0x0] =	sbarrier.arrive $0xFFFF  }
0xf2: {  	s18 =	rddreg [dreg:$0xf]  }
0xf3: {  	[hbm:s18], [sflag:s15] =	dma.local [spmem:s16], $0x2800  }
0xf4: {  	_ =	swait.ge [sflag:s25], $0x2800  }
0xf5: {  	[sflag:s25] =	ssyncset.done $0x0  }
0xf6: {  	s19 =	rddreg [dreg:$0x10];
	[sflag:s25] =	ssyncadd.s32 $0xFFFFD800  }
0xf7: {  	[hbm:s19], [sflag:s15] =	dma.local [spmem:s17], $0x50  }
0xf8: {  	_ =	swait.ge [sflag:s25], $0x50  }
0xf9: {  	[sflag:s25] =	ssyncset.done $0x0  }
0xfa: {  	[sflag:s25] =	ssyncadd.s32 $0xFFFFFFB0  }
0xfb: {  	s20 =	sadd.s32 $0x0, s9;
	[bflag:$0x0] =	sbarrier.arrive $0xFFFF  }
0xfc: {  	[spmem:s20] =	stream.linear.scatter [tilespmem:s26], [sflag:$0x6], $0x800, $0x38;
	[tilespmem:$0x1F580] =	vst v63  }
0xfd: {  	s18 =	simm.s32 $0x2000;
	_ =	swait.ge [sflag:s25], $0x800  }
.LBB2_14:
0xfe: {  	s19 =	sshra.s32 s18, $0x2;
	[sflag:s25] =	ssyncset.done $0x0;
	p0 =	sne.s32 s18, $0x4E000  }
.Ltmp6:
0xff: {  	s19 =	sadd.s32 s19, s9;
	[sflag:s25] =	ssyncadd.s32 $0xFFFFF800;
	(pc) =	sbr.rel @p0 .LBB2_14-.Ltmp6, $3  }
0x100: {  	[spmem:s19] =	stream.linear.scatter [tilespmem:s26], [sflag:$0x6], $0x800, $0x38;
	[tilespmem:$0x1F580] =	vst v63  }
0x101: {  	s18 =	sadd.s32 $0x2000, s18;
	_ =	sdelay $0x1  }
0x102: {  	_ =	swait.ge [sflag:s25], $0x800  }
0x103: {  	[sflag:s25] =	ssyncset.done $0x0  }
0x104: {  	[sflag:s25] =	ssyncadd.s32 $0xFFFFF800  }
0x105: {  	[spmem:s10] =	stream.linear.scatter [tilespmem:s28], [sflag:$0x6], $0x280, $0x38;
	[tilespmem:$0x1F580] =	vst v63  }
0x106: {  	_ =	swait.ge [sflag:s25], $0x280  }
0x107: {  	[sflag:s25] =	ssyncset.done $0x0  }
0x108: {  	[sflag:s25] =	ssyncadd.s32 $0xFFFFFD80  }
0x109: {  	[bflag:$0x0] =	sbarrier.arrive $0xFFFF  }
0x10a: {  	s18 =	simm.s32 $0x0;
	s19 =	rddreg [dreg:$0x11]  }
0x10b: {  	[tilespmem:s18], [sflag:$0x6] =	stream.linear.gather [hbm4b:s19+s18], $0x1400, $0x38;
	[tilespmem:$0x1F580] =	vst v63  }
0x10c: {  	_ =	swait.ge [sflag:s25], $0x1400  }
0x10d: {  	[sflag:s25] =	ssyncset.done $0x0  }
0x10e: {  	s20 =	rddreg [dreg:$0x12];
	[sflag:s25] =	ssyncadd.s32 $0xFFFFEC00  }
0x10f: {  	[tilespmem:s29], [sflag:$0x6] =	stream.linear.gather [hbm4b:s20+s18], $0x1400, $0x38;
	[tilespmem:$0x1F580] =	vst v63  }
0x110: {  	_ =	swait.ge [sflag:s25], $0x1400  }
0x111: {  	[sflag:s25] =	ssyncset.done $0x0  }
0x112: {  	[sflag:s25] =	ssyncadd.s32 $0xFFFFEC00  }
0x113: {  	[tilespmem:s31], [sflag:$0x1] =	stream.indirect.gather [hbm4b:s1+s30], $0x80, s18, s30, $0xb8;
	[tilespmem:$0x1F580] =	vst v63  }
0x114: {  	_ = 	snop  }
0x115: {  	[tilespmem:s0], [sflag:$0x2] =	stream.indirect.gather [hbm4b:s1+s30], $0x80, s30, s30, $0xb8;
	[tilespmem:$0x1F580] =	vst v63  }
0x116: {  	_ =	swait.ge [sflag:s4], $0x4000  }
0x117: {  	[sflag:s4] =	ssyncset.done $0x0  }
0x118: {  	s20 =	simm.s32 $0x1400;
	[sflag:s4] =	ssyncadd.s32 $0xFFFFC000  }
0x119: {  	[spmem:s3] =	stream.indirect.scatter.add.f32 [tilespmem:s24], [sflag:$0x5], $0x1, s20, s30, $0xb8;
	[tilespmem:$0x1F580] =	vst v63  }
0x11a: {  	_ = 	snop  }
0x11b: {  	[spmem:s2] =	stream.indirect.scatter.add.f32 [tilespmem:s31], [sflag:$0x3], $0x80, s20, s30, $0xb8;
	[tilespmem:$0x1F580] =	vst v63  }
0x11c: {  	_ =	swait.ge [sflag:s6], $0x4000  }
0x11d: {  	[sflag:s6] =	ssyncset.done $0x0  }
0x11e: {  	s19 =	simm.s32 $0x100;
	[sflag:s6] =	ssyncadd.s32 $0xFFFFC000  }
0x11f: {  	[tilespmem:s31], [sflag:$0x1] =	stream.indirect.gather [hbm4b:s1+s30], $0x80, s19, s30, $0xb8;
	[tilespmem:$0x1F580] =	vst v63  }
0x120: {  	_ =	swait.ge [sflag:s7], $0x4000  }
0x121: {  	[sflag:s7] =	ssyncset.done $0x0  }
0x122: {  	s20 =	simm.s32 $0x1480;
	[sflag:s7] =	ssyncadd.s32 $0xFFFFC000  }
0x123: {  	[spmem:s3] =	stream.indirect.scatter.add.f32 [tilespmem:s24], [sflag:$0x5], $0x1, s20, s30, $0xb8;
	[tilespmem:$0x1F580] =	vst v63  }
0x124: {  	_ = 	snop  }
0x125: {  	[spmem:s2] =	stream.indirect.scatter.add.f32 [tilespmem:s0], [sflag:$0x4], $0x80, s20, s30, $0xb8;
	[tilespmem:$0x1F580] =	vst v63  }
0x126: {  	_ =	swait.ge [sflag:s8], $0x4000  }
0x127: {  	[sflag:s8] =	ssyncset.done $0x0  }
0x128: {  	s18 =	simm.s32 $0x400;
	s19 =	simm.s32 $0x180;
	[sflag:s8] =	ssyncadd.s32 $0xFFFFC000  }
.LBB2_16:
0x129: {  	[tilespmem:s0], [sflag:$0x2] =	stream.indirect.gather [hbm4b:s1+s30], $0x80, s19, s30, $0xb8;
	[tilespmem:$0x1F580] =	vst v63  }
0x12a: {  	s19 =	smov.u32 s18  }
0x12b: {  	p0 =	sne.s32 s18, $0x4800;
	s18 =	sadd.s32 $0x400, s18;
	_ =	swait.ge [sflag:s4], $0x4000  }
0x12c: {  	s19 =	sshra.s32 s19, $0x2;
	[sflag:s4] =	ssyncset.done $0x0  }
0x12d: {  	s20 =	sadd.s32 $0x1400, s19;
	[sflag:s4] =	ssyncadd.s32 $0xFFFFC000  }
0x12e: {  	[spmem:s3] =	stream.indirect.scatter.add.f32 [tilespmem:s24], [sflag:$0x5], $0x1, s20, s30, $0xb8;
	[tilespmem:$0x1F580] =	vst v63  }
0x12f: {  	_ = 	snop  }
0x130: {  	[spmem:s2] =	stream.indirect.scatter.add.f32 [tilespmem:s31], [sflag:$0x3], $0x80, s20, s30, $0xb8;
	[tilespmem:$0x1F580] =	vst v63  }
0x131: {  	_ =	swait.ge [sflag:s6], $0x4000  }
0x132: {  	[sflag:s6] =	ssyncset.done $0x0  }
0x133: {  	s20 =	sadd.s32 $0x100, s19;
	[sflag:s6] =	ssyncadd.s32 $0xFFFFC000  }
0x134: {  	[tilespmem:s31], [sflag:$0x1] =	stream.indirect.gather [hbm4b:s1+s30], $0x80, s20, s30, $0xb8;
	[tilespmem:$0x1F580] =	vst v63  }
0x135: {  	_ =	swait.ge [sflag:s7], $0x4000  }
0x136: {  	[sflag:s7] =	ssyncset.done $0x0  }
0x137: {  	s20 =	sadd.s32 $0x1480, s19;
	[sflag:s7] =	ssyncadd.s32 $0xFFFFC000  }
0x138: {  	[spmem:s3] =	stream.indirect.scatter.add.f32 [tilespmem:s24], [sflag:$0x5], $0x1, s20, s30, $0xb8;
	[tilespmem:$0x1F580] =	vst v63  }
.Ltmp7:
0x139: {  	(pc) =	sbr.rel @p0 .LBB2_16-.Ltmp7, $4  }
0x13a: {  	[spmem:s2] =	stream.indirect.scatter.add.f32 [tilespmem:s0], [sflag:$0x4], $0x80, s20, s30, $0xb8;
	[tilespmem:$0x1F580] =	vst v63  }
0x13b: {  	_ =	swait.ge [sflag:s8], $0x4000  }
0x13c: {  	[sflag:s8] =	ssyncset.done $0x0  }
0x13d: {  	s19 =	sadd.s32 $0x180, s19;
	[sflag:s8] =	ssyncadd.s32 $0xFFFFC000  }
0x13e: {  	[tilespmem:s0], [sflag:$0x2] =	stream.indirect.gather [hbm4b:s1+s30], $0x80, s19, s30, $0xb8;
	[tilespmem:$0x1F580] =	vst v63  }
0x13f: {  	_ =	swait.ge [sflag:s4], $0x4000  }
0x140: {  	[sflag:s4] =	ssyncset.done $0x0  }
0x141: {  	[sflag:s4] =	ssyncadd.s32 $0xFFFFC000  }
0x142: {  	[spmem:s3] =	stream.indirect.scatter.add.f32 [tilespmem:s24], [sflag:$0x5], $0x1, s11, s30, $0xb8;
	[tilespmem:$0x1F580] =	vst v63  }
0x143: {  	_ = 	snop  }
0x144: {  	[spmem:s2] =	stream.indirect.scatter.add.f32 [tilespmem:s31], [sflag:$0x3], $0x80, s11, s30, $0xb8;
	[tilespmem:$0x1F580] =	vst v63  }
0x145: {  	_ =	swait.ge [sflag:s6], $0x4000  }
0x146: {  	[sflag:s6] =	ssyncset.done $0x0  }
0x147: {  	[sflag:s6] =	ssyncadd.s32 $0xFFFFC000  }
0x148: {  	_ =	swait.ge [sflag:s7], $0x4000  }
0x149: {  	[sflag:s7] =	ssyncset.done $0x0  }
0x14a: {  	[sflag:s7] =	ssyncadd.s32 $0xFFFFC000  }
0x14b: {  	[spmem:s3] =	stream.indirect.scatter.add.f32 [tilespmem:s24], [sflag:$0x5], $0x1, s12, s30, $0xb8;
	[tilespmem:$0x1F580] =	vst v63  }
0x14c: {  	_ = 	snop  }
0x14d: {  	[spmem:s2] =	stream.indirect.scatter.add.f32 [tilespmem:s0], [sflag:$0x4], $0x80, s12, s30, $0xb8;
	[tilespmem:$0x1F580] =	vst v63  }
0x14e: {  	_ =	swait.ge [sflag:s8], $0x4000  }
0x14f: {  	[sflag:s8] =	ssyncset.done $0x0  }
0x150: {  	[sflag:s8] =	ssyncadd.s32 $0xFFFFC000  }
0x151: {  	_ =	swait.ge [sflag:s13], $0x80  }
0x152: {  	s18 =	simm.s32 $0x27;
	[sflag:s13] =	ssyncset.done $0x0  }
.LBB2_18:
0x153: {  	p0 =	sne.s32 s18, $0x1;
	s18 =	sadd.s32 $0xFFFFFFFF, s18;
	[sflag:s13] =	ssyncadd.s32 $0xFFFFFF80  }
.Ltmp8:
0x154: {  	(pc) =	sbr.rel @p0 .LBB2_18-.Ltmp8, $3  }
0x155: {  	_ =	sdelay $0x1  }
0x156: {  	_ =	swait.ge [sflag:s13], $0x80  }
0x157: {  	[sflag:s13] =	ssyncset.done $0x0  }
0x158: {  	[sflag:s13] =	ssyncadd.s32 $0xFFFFFF80  }
0x159: {  	[bflag:$0x0] =	sbarrier.arrive $0xFFFF  }
0x15a: {  	[hbm:s21], [sflag:s15] =	dma.local [spmem:s16], $0x2800  }
0x15b: {  	_ =	swait.ge [sflag:s25], $0x2800  }
0x15c: {  	s14 =	sadd.s32 $0x1, s14;
	[sflag:s25] =	ssyncset.done $0x0  }
0x15d: {  	p0 =	sne.s32 s14, s23;
	[sflag:s25] =	ssyncadd.s32 $0xFFFFD800  }
0x15e: {  	[hbm:s22], [sflag:s15] =	dma.local [spmem:s17], $0x50  }
.Ltmp9:
0x15f: {  	_ =	swait.ge [sflag:s25], $0x50;
	(pc) =	sbr.rel @p0 .LBB2_1-.Ltmp9, $3  }
0x160: {  	[sflag:s25] =	ssyncset.done $0x0  }
0x161: {  	[sflag:s25] =	ssyncadd.s32 $0xFFFFFFB0  }
0x162: {  	[bflag:$0x0] =	sbarrier.arrive $0xFFFF;
	_ =	sdelay $0x1  }
0x163: {  	_ =	sfence.sel $0x180000  }
0x164: {  	[bflag:$0x0] =	sbarrier.arrive $0xFFFF  }
0x165: {  	_ =	strace $0x90000047  }
0x166: {  	s0 =	stileid.u32;
	[bflag:$0x2] =	sbarrier.arrive $0xFFFF  }
0x167: {  	p0 =	sne.s32 s0, $0x0;
	s0 =	rddreg [dreg:$0x5]  }
0x168: {  	s0 =	sadd.s32 @!p0 $0x100000, s0  }
0x169: {  	[sflag:s0] =	ssyncadd.tile.s32 @!p0 $0x1;
	_ =	shalt  }
.Lfunc_end2:
_tile_overlayer_lowered:
.L_overlay_start_2:
0x16a: {  	(tag) =	ssettag $0x2  }
0x16b: {  	s0 =	rddreg [dreg:$0x0];
	s2 =	stileid.u32  }
0x16c: {  	s1 =	rddreg [dreg:$0x1];
	p0 =	sne.s32 s2, $0x0  }
0x16d: {  	s3 =	rddreg [dreg:$0x2];
	[bflag:$0x3] =	sbarrier.arrive $0xFFFF;
	s2 =	simm.s32 @!p0 $0x1C06  }
0x16e: {  	[timem:s3], [sflag:s2] =	dma.local @!p0 [hbm:s0], s1  }
0x16f: {  	s0 =	simm.s32 @!p0 $0x6  }
0x170: {  	_ =	swait.ge @!p0 [sflag:s0], s1  }
0x171: {  	s1 =	ssub.s32 @!p0 $0x0, s1;
	[sflag:s0] =	ssyncset.done @!p0 $0x0  }
0x172: {  	[sflag:s0] =	ssyncadd.s32 @!p0 s1  }
0x173: {  	[bflag:$0x3] =	sbarrier.arrive $0xFFFF  }
0x174: {  	_ =	shalt  }

</sc_bundles>
